<compile_context>
chip_gen: v7x
topology: tpu7x:2x2x1
jax: 0.10.2.dev20260603
libtpu: 0.0.44.dev20260713+nightly
codegen_flags: <defaults>
</compile_context>

<pallas_src>
import functools

import jax
import jax.numpy as jnp
from jax import lax
from jax.experimental import pallas as pl
from jax.experimental.pallas import tpu as pltpu
from jax.experimental.pallas import tpu_sc as plsc

NUM_EMB = 1000000
D = 32
NSAMP = 16384
SEQ = 200

NC, NS = 2, 16
NW = NC * NS
SAMP_PER_CHUNK = 8
SAMP_PER_W = NSAMP // NW
N_CHUNK = SAMP_PER_W // SAMP_PER_CHUNK

_mesh = plsc.VectorSubcoreMesh(core_axis_name="c", subcore_axis_name="s")


@functools.partial(
    pl.kernel,
    mesh=_mesh,
    out_type=jax.ShapeDtypeStruct((NSAMP, SEQ, D), jnp.float32),
    scratch_types=[
        pltpu.VMEM((2, SAMP_PER_CHUNK, SEQ), jnp.int32),
        pltpu.VMEM((2, SAMP_PER_CHUNK, SEQ, D), jnp.float32),
        pltpu.SemaphoreType.DMA,
        pltpu.SemaphoreType.DMA,
        pltpu.SemaphoreType.DMA,
        pltpu.SemaphoreType.DMA,
        pltpu.SemaphoreType.DMA,
    ],
    compiler_params=pltpu.CompilerParams(use_tc_tiling_on_sc=False),
)
def _emb_lookup(idx_hbm, table_hbm, out_hbm, idx_v, rows_v,
                sem_idx, sem_g0, sem_g1, sem_out0, sem_out1):
    wid = lax.axis_index("s") * NC + lax.axis_index("c")
    samp0 = wid * SAMP_PER_W
    sem_g = (sem_g0, sem_g1)
    sem_out = (sem_out0, sem_out1)

    def fire_gathers(b):
        for j in range(SAMP_PER_CHUNK):
            pltpu.async_copy(table_hbm.at[idx_v.at[b].at[j]],
                             rows_v.at[b].at[j], sem_g[b])

    def finish_chunk(b, s):
        for j in range(SAMP_PER_CHUNK):
            pltpu.make_async_copy(table_hbm.at[idx_v.at[b].at[j]],
                                  rows_v.at[b].at[j], sem_g[b]).wait()
        pltpu.async_copy(rows_v.at[b], out_hbm.at[pl.ds(s, SAMP_PER_CHUNK)],
                         sem_out[b])

    pltpu.async_copy(idx_hbm.at[pl.ds(samp0, SAMP_PER_CHUNK)], idx_v.at[0],
                     sem_idx)

    def pair_body(g, carry):
        for b in range(2):
            c = 2 * g + b
            s = samp0 + c * SAMP_PER_CHUNK

            @pl.when(g > 0)
            def _():
                pltpu.make_async_copy(
                    rows_v.at[b], out_hbm.at[pl.ds(s, SAMP_PER_CHUNK)],
                    sem_out[b]).wait()

            pltpu.make_async_copy(
                idx_hbm.at[pl.ds(s, SAMP_PER_CHUNK)], idx_v.at[b],
                sem_idx).wait()

            fire_gathers(b)

            if b == 1:
                finish_chunk(0, s - SAMP_PER_CHUNK)
            else:
                @pl.when(g > 0)
                def _():
                    finish_chunk(1, s - SAMP_PER_CHUNK)

            ns = samp0 + jnp.minimum(c + 1, N_CHUNK - 1) * SAMP_PER_CHUNK
            pltpu.async_copy(idx_hbm.at[pl.ds(ns, SAMP_PER_CHUNK)],
                             idx_v.at[1 - b], sem_idx)
        return carry

    lax.fori_loop(0, N_CHUNK // 2, pair_body, 0)

    finish_chunk(1, samp0 + (N_CHUNK - 1) * SAMP_PER_CHUNK)
    pltpu.make_async_copy(idx_hbm.at[pl.ds(samp0, SAMP_PER_CHUNK)],
                          idx_v.at[0], sem_idx).wait()
    for b in range(2):
        tail = samp0 + (N_CHUNK - 2 + b) * SAMP_PER_CHUNK
        pltpu.make_async_copy(rows_v.at[b],
                              out_hbm.at[pl.ds(tail, SAMP_PER_CHUNK)],
                              sem_out[b]).wait()


def kernel(input_ids, table):
    return _emb_lookup(input_ids, table)

# --- scband reference (transcript-rebuilt; emitter-appended) ---
"""Pipeline reference for scband-embedding-10496900071563 (READ-ONLY COPY).

The authoritative reference and input builder live on the scoring server;
editing this copy changes nothing except your own understanding.
"""

import jax, jax.numpy as jnp
import numpy as np

NUM_EMBEDDINGS = 1000000
EMBED_DIM = 32

def setup_inputs(seed: int = 0) -> dict:
    key = jax.random.key(seed)
    k1, k2 = jax.random.split(key)
    input_ids = jax.random.randint(k1, (16384, 200), 0, NUM_EMBEDDINGS, dtype=jnp.int64 if jax.config.jax_enable_x64 else jnp.int32)
    table = jax.random.normal(k2, (NUM_EMBEDDINGS, EMBED_DIM), dtype=jnp.float32)
    return {"input_ids": input_ids, "table": table}

def reference(input_ids, table):
    # Faithful translation of torch.nn.Embedding forward: gather rows of the table.
    return jnp.take(table, input_ids, axis=0)

if __name__ == "__main__":
    import jax
    _d = setup_inputs()
    print(jax.jit(kernel)(*tuple(_d.values())))

</pallas_src>

<mosaic_0001>
#map = affine_map<(d0, d1) -> (0, 0)>
#map1 = affine_map<(d0, d1) -> (0, 0, 0)>
module attributes {stable_mosaic.version = 14 : i64} {
  func.func @_emb_lookup(%arg0: i32, %arg1: i32, %arg2: memref<16384x200xi32, #tpu.memory_space<hbm>>, %arg3: memref<1000000x32xf32, #tpu.memory_space<hbm>>, %arg4: memref<16384x200x32xf32, #tpu.memory_space<hbm>>, %arg5: memref<2x8x200xi32, #tpu.memory_space<vmem>>, %arg6: memref<2x8x200x32xf32, #tpu.memory_space<vmem>>, %arg7: memref<!tpu.dma_semaphore, #tpu.memory_space<semaphore_mem>>, %arg8: memref<!tpu.dma_semaphore, #tpu.memory_space<semaphore_mem>>, %arg9: memref<!tpu.dma_semaphore, #tpu.memory_space<semaphore_mem>>, %arg10: memref<!tpu.dma_semaphore, #tpu.memory_space<semaphore_mem>>, %arg11: memref<!tpu.dma_semaphore, #tpu.memory_space<semaphore_mem>>) attributes {dimension_semantics = [#tpu.dimension_semantics<core_parallel>, #tpu.dimension_semantics<subcore_parallel>], iteration_bounds = array<i64: 2, 16>, scalar_prefetch = 0 : i64, scratch_operands = 7 : i64, tpu.core_type = #tpu.core_type<sc_vector_subcore>, window_params = [{transform_indices = #map}, {transform_indices = #map}, {transform_indices = #map1}]} {
    %mul3A = arith.constant 2 : i32
    %mul3A_0 = arith.muli %arg1, %mul3A : i32
    %add3A = arith.addi %mul3A_0, %arg0 : i32
    %mul3A_1 = arith.constant 512 : i32
    %mul3A_2 = arith.muli %add3A, %mul3A_1 : i32
    %dma_start3A = arith.constant 0 : i32
    %dma_start3A_3 = arith.constant 0 : i32
    %dma_start3A_4 = arith.constant 0 : i32
    %dma_start3A_5 = tpu.memref_slice %arg5[%dma_start3A, %dma_start3A_3, %dma_start3A_4] : memref<2x8x200xi32, #tpu.memory_space<vmem>> -> memref<1x8x200xi32, #tpu.memory_space<vmem>>
    %dma_start3A_6 = tpu.memref_squeeze %dma_start3A_5 : memref<1x8x200xi32, #tpu.memory_space<vmem>> -> memref<8x200xi32, #tpu.memory_space<vmem>>
    %dma_start3A_7 = arith.constant 0 : i32
    %dma_start3A_8 = tpu.memref_slice %arg2[%mul3A_2, %dma_start3A_7] : memref<16384x200xi32, #tpu.memory_space<hbm>> -> memref<8x200xi32, #tpu.memory_space<hbm>>
    %dma_start3A_9 = arith.constant 0 : i32
    %dma_start3A_10 = arith.constant 0 : i32
    %dma_start3A_11 = tpu.memref_slice %arg5[%dma_start3A, %dma_start3A_9, %dma_start3A_10] : memref<2x8x200xi32, #tpu.memory_space<vmem>> -> memref<1x8x200xi32, #tpu.memory_space<vmem>>
    %dma_start3A_12 = tpu.memref_squeeze %dma_start3A_11 : memref<1x8x200xi32, #tpu.memory_space<vmem>> -> memref<8x200xi32, #tpu.memory_space<vmem>>
    %dma_start3A_13 = arith.constant 0 : i32
    %dma_start3A_14 = tpu.memref_slice %arg2[%mul3A_2, %dma_start3A_13] : memref<16384x200xi32, #tpu.memory_space<hbm>> -> memref<8x200xi32, #tpu.memory_space<hbm>>
    tpu.enqueue_dma source(%dma_start3A_14 : memref<8x200xi32, #tpu.memory_space<hbm>>) target(%dma_start3A_12 : memref<8x200xi32, #tpu.memory_space<vmem>>) target_semaphore(%arg7 : memref<!tpu.dma_semaphore, #tpu.memory_space<semaphore_mem>>)
    %scan3A = arith.constant 0 : i32
    %scan3A_15 = arith.constant 0 : i32
    %scan3A_16 = arith.constant 32 : i32
    %scan3A_17 = arith.addi %scan3A_15, %scan3A_16 : i32
    %scan3A_18 = arith.constant 1 : i32
    scf.for %scan3A_273 = %scan3A_15 to %scan3A_17 step %scan3A_18  : i32 {
      %mul3A_274 = arith.constant 2 : i32
      %mul3A_275 = arith.muli %mul3A_274, %scan3A_273 : i32
      %add3A_276 = arith.constant 0 : i32
      %add3A_277 = arith.addi %mul3A_275, %add3A_276 : i32
      %mul3A_278 = arith.constant 8 : i32
      %mul3A_279 = arith.muli %add3A_277, %mul3A_278 : i32
      %add3A_280 = arith.addi %mul3A_2, %mul3A_279 : i32
      %gt3A = arith.constant 0 : i32
      %gt3A_281 = arith.cmpi sgt, %scan3A_273, %gt3A : i32
      %convert_element_type3A = arith.extui %gt3A_281 : i1 to i32
      %cond3A = arith.constant 0 : i32
      %cond3A_282 = arith.cmpi ne, %convert_element_type3A, %cond3A : i32
      scf.if %cond3A_282 {
        %dma_wait3A_935 = arith.constant 0 : i32
        %dma_wait3A_936 = arith.constant 0 : i32
        %dma_wait3A_937 = arith.constant 0 : i32
        %dma_wait3A_938 = arith.constant 0 : i32
        %dma_wait3A_939 = tpu.memref_slice %arg6[%dma_wait3A_935, %dma_wait3A_936, %dma_wait3A_937, %dma_wait3A_938] : memref<2x8x200x32xf32, #tpu.memory_space<vmem>> -> memref<1x8x200x32xf32, #tpu.memory_space<vmem>>
        %dma_wait3A_940 = tpu.memref_squeeze %dma_wait3A_939 : memref<1x8x200x32xf32, #tpu.memory_space<vmem>> -> memref<8x200x32xf32, #tpu.memory_space<vmem>>
        %dma_wait3A_941 = arith.constant 0 : i32
        %dma_wait3A_942 = arith.constant 0 : i32
        %dma_wait3A_943 = tpu.memref_slice %arg4[%add3A_280, %dma_wait3A_941, %dma_wait3A_942] : memref<16384x200x32xf32, #tpu.memory_space<hbm>> -> memref<8x200x32xf32, #tpu.memory_space<hbm>>
        %dma_wait3A_944 = arith.constant 0 : i32
        %dma_wait3A_945 = arith.constant 0 : i32
        %dma_wait3A_946 = tpu.memref_slice %arg4[%add3A_280, %dma_wait3A_944, %dma_wait3A_945] : memref<16384x200x32xf32, #tpu.memory_space<hbm>> -> memref<8x200x32xf32, #tpu.memory_space<hbm>>
        %dma_wait3A_947 = arith.constant 0 : i32
        %dma_wait3A_948 = arith.constant 0 : i32
        %dma_wait3A_949 = arith.constant 0 : i32
        %dma_wait3A_950 = tpu.memref_slice %arg6[%dma_wait3A_935, %dma_wait3A_947, %dma_wait3A_948, %dma_wait3A_949] : memref<2x8x200x32xf32, #tpu.memory_space<vmem>> -> memref<1x8x200x32xf32, #tpu.memory_space<vmem>>
        %dma_wait3A_951 = tpu.memref_squeeze %dma_wait3A_950 : memref<1x8x200x32xf32, #tpu.memory_space<vmem>> -> memref<8x200x32xf32, #tpu.memory_space<vmem>>
        tpu.wait_dma2 semaphore(%arg10 : memref<!tpu.dma_semaphore, #tpu.memory_space<semaphore_mem>>) src(%dma_wait3A_951 : memref<8x200x32xf32, #tpu.memory_space<vmem>>) dst(%dma_wait3A_946 : memref<8x200x32xf32, #tpu.memory_space<hbm>>)
      } else {
      }
      %dma_wait3A_283 = arith.constant 0 : i32
      %dma_wait3A_284 = arith.constant 0 : i32
      %dma_wait3A_285 = arith.constant 0 : i32
      %dma_wait3A_286 = tpu.memref_slice %arg5[%dma_wait3A_283, %dma_wait3A_284, %dma_wait3A_285] : memref<2x8x200xi32, #tpu.memory_space<vmem>> -> memref<1x8x200xi32, #tpu.memory_space<vmem>>
      %dma_wait3A_287 = tpu.memref_squeeze %dma_wait3A_286 : memref<1x8x200xi32, #tpu.memory_space<vmem>> -> memref<8x200xi32, #tpu.memory_space<vmem>>
      %dma_wait3A_288 = arith.constant 0 : i32
      %dma_wait3A_289 = tpu.memref_slice %arg2[%add3A_280, %dma_wait3A_288] : memref<16384x200xi32, #tpu.memory_space<hbm>> -> memref<8x200xi32, #tpu.memory_space<hbm>>
      %dma_wait3A_290 = arith.constant 0 : i32
      %dma_wait3A_291 = arith.constant 0 : i32
      %dma_wait3A_292 = tpu.memref_slice %arg5[%dma_wait3A_283, %dma_wait3A_290, %dma_wait3A_291] : memref<2x8x200xi32, #tpu.memory_space<vmem>> -> memref<1x8x200xi32, #tpu.memory_space<vmem>>
      %dma_wait3A_293 = tpu.memref_squeeze %dma_wait3A_292 : memref<1x8x200xi32, #tpu.memory_space<vmem>> -> memref<8x200xi32, #tpu.memory_space<vmem>>
      %dma_wait3A_294 = arith.constant 0 : i32
      %dma_wait3A_295 = tpu.memref_slice %arg2[%add3A_280, %dma_wait3A_294] : memref<16384x200xi32, #tpu.memory_space<hbm>> -> memref<8x200xi32, #tpu.memory_space<hbm>>
      tpu.wait_dma2 semaphore(%arg7 : memref<!tpu.dma_semaphore, #tpu.memory_space<semaphore_mem>>) src(%dma_wait3A_295 : memref<8x200xi32, #tpu.memory_space<hbm>>) dst(%dma_wait3A_293 : memref<8x200xi32, #tpu.memory_space<vmem>>)
      %dma_start3A_296 = arith.constant 0 : i32
      %dma_start3A_297 = arith.constant 0 : i32
      %dma_start3A_298 = arith.constant 0 : i32
      %dma_start3A_299 = arith.constant 0 : i32
      %dma_start3A_300 = arith.constant 0 : i32
      %dma_start3A_301 = arith.constant 0 : i32
      %dma_start3A_302 = arith.constant 0 : i32
      %dma_start3A_303 = tpu.memref_slice %arg6[%dma_start3A_298, %dma_start3A_300, %dma_start3A_301, %dma_start3A_302] : memref<2x8x200x32xf32, #tpu.memory_space<vmem>> -> memref<1x8x200x32xf32, #tpu.memory_space<vmem>>
      %dma_start3A_304 = tpu.memref_squeeze %dma_start3A_303 : memref<1x8x200x32xf32, #tpu.memory_space<vmem>> -> memref<8x200x32xf32, #tpu.memory_space<vmem>>
      %dma_start3A_305 = arith.constant 0 : i32
      %dma_start3A_306 = arith.constant 0 : i32
      %dma_start3A_307 = tpu.memref_slice %dma_start3A_304[%dma_start3A_299, %dma_start3A_305, %dma_start3A_306] : memref<8x200x32xf32, #tpu.memory_space<vmem>> -> memref<1x200x32xf32, #tpu.memory_space<vmem>>
      %dma_start3A_308 = tpu.memref_squeeze %dma_start3A_307 : memref<1x200x32xf32, #tpu.memory_space<vmem>> -> memref<200x32xf32, #tpu.memory_space<vmem>>
      %dma_start3A_309 = arith.constant 0 : i32
      %dma_start3A_310 = arith.constant 0 : i32
      %dma_start3A_311 = tpu.memref_slice %arg5[%dma_start3A_296, %dma_start3A_309, %dma_start3A_310] : memref<2x8x200xi32, #tpu.memory_space<vmem>> -> memref<1x8x200xi32, #tpu.memory_space<vmem>>
      %dma_start3A_312 = tpu.memref_squeeze %dma_start3A_311 : memref<1x8x200xi32, #tpu.memory_space<vmem>> -> memref<8x200xi32, #tpu.memory_space<vmem>>
      %dma_start3A_313 = arith.constant 0 : i32
      %dma_start3A_314 = tpu.memref_slice %dma_start3A_312[%dma_start3A_297, %dma_start3A_313] : memref<8x200xi32, #tpu.memory_space<vmem>> -> memref<1x200xi32, #tpu.memory_space<vmem>>
      %dma_start3A_315 = tpu.memref_squeeze %dma_start3A_314 : memref<1x200xi32, #tpu.memory_space<vmem>> -> memref<200xi32, #tpu.memory_space<vmem>>
      %dma_start3A_316 = arith.constant 0 : i32
      %dma_start3A_317 = arith.constant 0 : i32
      %dma_start3A_318 = tpu.memref_slice %arg3[%dma_start3A_316, %dma_start3A_317] : memref<1000000x32xf32, #tpu.memory_space<hbm>> -> memref<1000000x32xf32, #tpu.memory_space<hbm>>
      tpu.enqueue_indirect_dma source(%dma_start3A_318 : memref<1000000x32xf32, #tpu.memory_space<hbm>>) target(%dma_start3A_308 : memref<200x32xf32, #tpu.memory_space<vmem>>) offsets(%dma_start3A_315 : memref<200xi32, #tpu.memory_space<vmem>>) semaphore(%arg8 : memref<!tpu.dma_semaphore, #tpu.memory_space<semaphore_mem>>)
      %dma_start3A_319 = arith.constant 0 : i32
      %dma_start3A_320 = arith.constant 1 : i32
      %dma_start3A_321 = arith.constant 0 : i32
      %dma_start3A_322 = arith.constant 1 : i32
      %dma_start3A_323 = arith.constant 0 : i32
      %dma_start3A_324 = arith.constant 0 : i32
      %dma_start3A_325 = arith.constant 0 : i32
      %dma_start3A_326 = tpu.memref_slice %arg6[%dma_start3A_321, %dma_start3A_323, %dma_start3A_324, %dma_start3A_325] : memref<2x8x200x32xf32, #tpu.memory_space<vmem>> -> memref<1x8x200x32xf32, #tpu.memory_space<vmem>>
      %dma_start3A_327 = tpu.memref_squeeze %dma_start3A_326 : memref<1x8x200x32xf32, #tpu.memory_space<vmem>> -> memref<8x200x32xf32, #tpu.memory_space<vmem>>
      %dma_start3A_328 = arith.constant 0 : i32
      %dma_start3A_329 = arith.constant 0 : i32
      %dma_start3A_330 = tpu.memref_slice %dma_start3A_327[%dma_start3A_322, %dma_start3A_328, %dma_start3A_329] : memref<8x200x32xf32, #tpu.memory_space<vmem>> -> memref<1x200x32xf32, #tpu.memory_space<vmem>>
      %dma_start3A_331 = tpu.memref_squeeze %dma_start3A_330 : memref<1x200x32xf32, #tpu.memory_space<vmem>> -> memref<200x32xf32, #tpu.memory_space<vmem>>
      %dma_start3A_332 = arith.constant 0 : i32
      %dma_start3A_333 = arith.constant 0 : i32
      %dma_start3A_334 = tpu.memref_slice %arg5[%dma_start3A_319, %dma_start3A_332, %dma_start3A_333] : memref<2x8x200xi32, #tpu.memory_space<vmem>> -> memref<1x8x200xi32, #tpu.memory_space<vmem>>
      %dma_start3A_335 = tpu.memref_squeeze %dma_start3A_334 : memref<1x8x200xi32, #tpu.memory_space<vmem>> -> memref<8x200xi32, #tpu.memory_space<vmem>>
      %dma_start3A_336 = arith.constant 0 : i32
      %dma_start3A_337 = tpu.memref_slice %dma_start3A_335[%dma_start3A_320, %dma_start3A_336] : memref<8x200xi32, #tpu.memory_space<vmem>> -> memref<1x200xi32, #tpu.memory_space<vmem>>
      %dma_start3A_338 = tpu.memref_squeeze %dma_start3A_337 : memref<1x200xi32, #tpu.memory_space<vmem>> -> memref<200xi32, #tpu.memory_space<vmem>>
      %dma_start3A_339 = arith.constant 0 : i32
      %dma_start3A_340 = arith.constant 0 : i32
      %dma_start3A_341 = tpu.memref_slice %arg3[%dma_start3A_339, %dma_start3A_340] : memref<1000000x32xf32, #tpu.memory_space<hbm>> -> memref<1000000x32xf32, #tpu.memory_space<hbm>>
      tpu.enqueue_indirect_dma source(%dma_start3A_341 : memref<1000000x32xf32, #tpu.memory_space<hbm>>) target(%dma_start3A_331 : memref<200x32xf32, #tpu.memory_space<vmem>>) offsets(%dma_start3A_338 : memref<200xi32, #tpu.memory_space<vmem>>) semaphore(%arg8 : memref<!tpu.dma_semaphore, #tpu.memory_space<semaphore_mem>>)
      %dma_start3A_342 = arith.constant 0 : i32
      %dma_start3A_343 = arith.constant 2 : i32
      %dma_start3A_344 = arith.constant 0 : i32
      %dma_start3A_345 = arith.constant 2 : i32
      %dma_start3A_346 = arith.constant 0 : i32
      %dma_start3A_347 = arith.constant 0 : i32
      %dma_start3A_348 = arith.constant 0 : i32
      %dma_start3A_349 = tpu.memref_slice %arg6[%dma_start3A_344, %dma_start3A_346, %dma_start3A_347, %dma_start3A_348] : memref<2x8x200x32xf32, #tpu.memory_space<vmem>> -> memref<1x8x200x32xf32, #tpu.memory_space<vmem>>
      %dma_start3A_350 = tpu.memref_squeeze %dma_start3A_349 : memref<1x8x200x32xf32, #tpu.memory_space<vmem>> -> memref<8x200x32xf32, #tpu.memory_space<vmem>>
      %dma_start3A_351 = arith.constant 0 : i32
      %dma_start3A_352 = arith.constant 0 : i32
      %dma_start3A_353 = tpu.memref_slice %dma_start3A_350[%dma_start3A_345, %dma_start3A_351, %dma_start3A_352] : memref<8x200x32xf32, #tpu.memory_space<vmem>> -> memref<1x200x32xf32, #tpu.memory_space<vmem>>
      %dma_start3A_354 = tpu.memref_squeeze %dma_start3A_353 : memref<1x200x32xf32, #tpu.memory_space<vmem>> -> memref<200x32xf32, #tpu.memory_space<vmem>>
      %dma_start3A_355 = arith.constant 0 : i32
      %dma_start3A_356 = arith.constant 0 : i32
      %dma_start3A_357 = tpu.memref_slice %arg5[%dma_start3A_342, %dma_start3A_355, %dma_start3A_356] : memref<2x8x200xi32, #tpu.memory_space<vmem>> -> memref<1x8x200xi32, #tpu.memory_space<vmem>>
      %dma_start3A_358 = tpu.memref_squeeze %dma_start3A_357 : memref<1x8x200xi32, #tpu.memory_space<vmem>> -> memref<8x200xi32, #tpu.memory_space<vmem>>
      %dma_start3A_359 = arith.constant 0 : i32
      %dma_start3A_360 = tpu.memref_slice %dma_start3A_358[%dma_start3A_343, %dma_start3A_359] : memref<8x200xi32, #tpu.memory_space<vmem>> -> memref<1x200xi32, #tpu.memory_space<vmem>>
      %dma_start3A_361 = tpu.memref_squeeze %dma_start3A_360 : memref<1x200xi32, #tpu.memory_space<vmem>> -> memref<200xi32, #tpu.memory_space<vmem>>
      %dma_start3A_362 = arith.constant 0 : i32
      %dma_start3A_363 = arith.constant 0 : i32
      %dma_start3A_364 = tpu.memref_slice %arg3[%dma_start3A_362, %dma_start3A_363] : memref<1000000x32xf32, #tpu.memory_space<hbm>> -> memref<1000000x32xf32, #tpu.memory_space<hbm>>
      tpu.enqueue_indirect_dma source(%dma_start3A_364 : memref<1000000x32xf32, #tpu.memory_space<hbm>>) target(%dma_start3A_354 : memref<200x32xf32, #tpu.memory_space<vmem>>) offsets(%dma_start3A_361 : memref<200xi32, #tpu.memory_space<vmem>>) semaphore(%arg8 : memref<!tpu.dma_semaphore, #tpu.memory_space<semaphore_mem>>)
      %dma_start3A_365 = arith.constant 0 : i32
      %dma_start3A_366 = arith.constant 3 : i32
      %dma_start3A_367 = arith.constant 0 : i32
      %dma_start3A_368 = arith.constant 3 : i32
      %dma_start3A_369 = arith.constant 0 : i32
      %dma_start3A_370 = arith.constant 0 : i32
      %dma_start3A_371 = arith.constant 0 : i32
      %dma_start3A_372 = tpu.memref_slice %arg6[%dma_start3A_367, %dma_start3A_369, %dma_start3A_370, %dma_start3A_371] : memref<2x8x200x32xf32, #tpu.memory_space<vmem>> -> memref<1x8x200x32xf32, #tpu.memory_space<vmem>>
      %dma_start3A_373 = tpu.memref_squeeze %dma_start3A_372 : memref<1x8x200x32xf32, #tpu.memory_space<vmem>> -> memref<8x200x32xf32, #tpu.memory_space<vmem>>
      %dma_start3A_374 = arith.constant 0 : i32
      %dma_start3A_375 = arith.constant 0 : i32
      %dma_start3A_376 = tpu.memref_slice %dma_start3A_373[%dma_start3A_368, %dma_start3A_374, %dma_start3A_375] : memref<8x200x32xf32, #tpu.memory_space<vmem>> -> memref<1x200x32xf32, #tpu.memory_space<vmem>>
      %dma_start3A_377 = tpu.memref_squeeze %dma_start3A_376 : memref<1x200x32xf32, #tpu.memory_space<vmem>> -> memref<200x32xf32, #tpu.memory_space<vmem>>
      %dma_start3A_378 = arith.constant 0 : i32
      %dma_start3A_379 = arith.constant 0 : i32
      %dma_start3A_380 = tpu.memref_slice %arg5[%dma_start3A_365, %dma_start3A_378, %dma_start3A_379] : memref<2x8x200xi32, #tpu.memory_space<vmem>> -> memref<1x8x200xi32, #tpu.memory_space<vmem>>
      %dma_start3A_381 = tpu.memref_squeeze %dma_start3A_380 : memref<1x8x200xi32, #tpu.memory_space<vmem>> -> memref<8x200xi32, #tpu.memory_space<vmem>>
      %dma_start3A_382 = arith.constant 0 : i32
      %dma_start3A_383 = tpu.memref_slice %dma_start3A_381[%dma_start3A_366, %dma_start3A_382] : memref<8x200xi32, #tpu.memory_space<vmem>> -> memref<1x200xi32, #tpu.memory_space<vmem>>
      %dma_start3A_384 = tpu.memref_squeeze %dma_start3A_383 : memref<1x200xi32, #tpu.memory_space<vmem>> -> memref<200xi32, #tpu.memory_space<vmem>>
      %dma_start3A_385 = arith.constant 0 : i32
      %dma_start3A_386 = arith.constant 0 : i32
      %dma_start3A_387 = tpu.memref_slice %arg3[%dma_start3A_385, %dma_start3A_386] : memref<1000000x32xf32, #tpu.memory_space<hbm>> -> memref<1000000x32xf32, #tpu.memory_space<hbm>>
      tpu.enqueue_indirect_dma source(%dma_start3A_387 : memref<1000000x32xf32, #tpu.memory_space<hbm>>) target(%dma_start3A_377 : memref<200x32xf32, #tpu.memory_space<vmem>>) offsets(%dma_start3A_384 : memref<200xi32, #tpu.memory_space<vmem>>) semaphore(%arg8 : memref<!tpu.dma_semaphore, #tpu.memory_space<semaphore_mem>>)
      %dma_start3A_388 = arith.constant 0 : i32
      %dma_start3A_389 = arith.constant 4 : i32
      %dma_start3A_390 = arith.constant 0 : i32
      %dma_start3A_391 = arith.constant 4 : i32
      %dma_start3A_392 = arith.constant 0 : i32
      %dma_start3A_393 = arith.constant 0 : i32
      %dma_start3A_394 = arith.constant 0 : i32
      %dma_start3A_395 = tpu.memref_slice %arg6[%dma_start3A_390, %dma_start3A_392, %dma_start3A_393, %dma_start3A_394] : memref<2x8x200x32xf32, #tpu.memory_space<vmem>> -> memref<1x8x200x32xf32, #tpu.memory_space<vmem>>
      %dma_start3A_396 = tpu.memref_squeeze %dma_start3A_395 : memref<1x8x200x32xf32, #tpu.memory_space<vmem>> -> memref<8x200x32xf32, #tpu.memory_space<vmem>>
      %dma_start3A_397 = arith.constant 0 : i32
      %dma_start3A_398 = arith.constant 0 : i32
      %dma_start3A_399 = tpu.memref_slice %dma_start3A_396[%dma_start3A_391, %dma_start3A_397, %dma_start3A_398] : memref<8x200x32xf32, #tpu.memory_space<vmem>> -> memref<1x200x32xf32, #tpu.memory_space<vmem>>
      %dma_start3A_400 = tpu.memref_squeeze %dma_start3A_399 : memref<1x200x32xf32, #tpu.memory_space<vmem>> -> memref<200x32xf32, #tpu.memory_space<vmem>>
      %dma_start3A_401 = arith.constant 0 : i32
      %dma_start3A_402 = arith.constant 0 : i32
      %dma_start3A_403 = tpu.memref_slice %arg5[%dma_start3A_388, %dma_start3A_401, %dma_start3A_402] : memref<2x8x200xi32, #tpu.memory_space<vmem>> -> memref<1x8x200xi32, #tpu.memory_space<vmem>>
      %dma_start3A_404 = tpu.memref_squeeze %dma_start3A_403 : memref<1x8x200xi32, #tpu.memory_space<vmem>> -> memref<8x200xi32, #tpu.memory_space<vmem>>
      %dma_start3A_405 = arith.constant 0 : i32
      %dma_start3A_406 = tpu.memref_slice %dma_start3A_404[%dma_start3A_389, %dma_start3A_405] : memref<8x200xi32, #tpu.memory_space<vmem>> -> memref<1x200xi32, #tpu.memory_space<vmem>>
      %dma_start3A_407 = tpu.memref_squeeze %dma_start3A_406 : memref<1x200xi32, #tpu.memory_space<vmem>> -> memref<200xi32, #tpu.memory_space<vmem>>
      %dma_start3A_408 = arith.constant 0 : i32
      %dma_start3A_409 = arith.constant 0 : i32
      %dma_start3A_410 = tpu.memref_slice %arg3[%dma_start3A_408, %dma_start3A_409] : memref<1000000x32xf32, #tpu.memory_space<hbm>> -> memref<1000000x32xf32, #tpu.memory_space<hbm>>
      tpu.enqueue_indirect_dma source(%dma_start3A_410 : memref<1000000x32xf32, #tpu.memory_space<hbm>>) target(%dma_start3A_400 : memref<200x32xf32, #tpu.memory_space<vmem>>) offsets(%dma_start3A_407 : memref<200xi32, #tpu.memory_space<vmem>>) semaphore(%arg8 : memref<!tpu.dma_semaphore, #tpu.memory_space<semaphore_mem>>)
      %dma_start3A_411 = arith.constant 0 : i32
      %dma_start3A_412 = arith.constant 5 : i32
      %dma_start3A_413 = arith.constant 0 : i32
      %dma_start3A_414 = arith.constant 5 : i32
      %dma_start3A_415 = arith.constant 0 : i32
      %dma_start3A_416 = arith.constant 0 : i32
      %dma_start3A_417 = arith.constant 0 : i32
      %dma_start3A_418 = tpu.memref_slice %arg6[%dma_start3A_413, %dma_start3A_415, %dma_start3A_416, %dma_start3A_417] : memref<2x8x200x32xf32, #tpu.memory_space<vmem>> -> memref<1x8x200x32xf32, #tpu.memory_space<vmem>>
      %dma_start3A_419 = tpu.memref_squeeze %dma_start3A_418 : memref<1x8x200x32xf32, #tpu.memory_space<vmem>> -> memref<8x200x32xf32, #tpu.memory_space<vmem>>
      %dma_start3A_420 = arith.constant 0 : i32
      %dma_start3A_421 = arith.constant 0 : i32
      %dma_start3A_422 = tpu.memref_slice %dma_start3A_419[%dma_start3A_414, %dma_start3A_420, %dma_start3A_421] : memref<8x200x32xf32, #tpu.memory_space<vmem>> -> memref<1x200x32xf32, #tpu.memory_space<vmem>>
      %dma_start3A_423 = tpu.memref_squeeze %dma_start3A_422 : memref<1x200x32xf32, #tpu.memory_space<vmem>> -> memref<200x32xf32, #tpu.memory_space<vmem>>
      %dma_start3A_424 = arith.constant 0 : i32
      %dma_start3A_425 = arith.constant 0 : i32
      %dma_start3A_426 = tpu.memref_slice %arg5[%dma_start3A_411, %dma_start3A_424, %dma_start3A_425] : memref<2x8x200xi32, #tpu.memory_space<vmem>> -> memref<1x8x200xi32, #tpu.memory_space<vmem>>
      %dma_start3A_427 = tpu.memref_squeeze %dma_start3A_426 : memref<1x8x200xi32, #tpu.memory_space<vmem>> -> memref<8x200xi32, #tpu.memory_space<vmem>>
      %dma_start3A_428 = arith.constant 0 : i32
      %dma_start3A_429 = tpu.memref_slice %dma_start3A_427[%dma_start3A_412, %dma_start3A_428] : memref<8x200xi32, #tpu.memory_space<vmem>> -> memref<1x200xi32, #tpu.memory_space<vmem>>
      %dma_start3A_430 = tpu.memref_squeeze %dma_start3A_429 : memref<1x200xi32, #tpu.memory_space<vmem>> -> memref<200xi32, #tpu.memory_space<vmem>>
      %dma_start3A_431 = arith.constant 0 : i32
      %dma_start3A_432 = arith.constant 0 : i32
      %dma_start3A_433 = tpu.memref_slice %arg3[%dma_start3A_431, %dma_start3A_432] : memref<1000000x32xf32, #tpu.memory_space<hbm>> -> memref<1000000x32xf32, #tpu.memory_space<hbm>>
      tpu.enqueue_indirect_dma source(%dma_start3A_433 : memref<1000000x32xf32, #tpu.memory_space<hbm>>) target(%dma_start3A_423 : memref<200x32xf32, #tpu.memory_space<vmem>>) offsets(%dma_start3A_430 : memref<200xi32, #tpu.memory_space<vmem>>) semaphore(%arg8 : memref<!tpu.dma_semaphore, #tpu.memory_space<semaphore_mem>>)
      %dma_start3A_434 = arith.constant 0 : i32
      %dma_start3A_435 = arith.constant 6 : i32
      %dma_start3A_436 = arith.constant 0 : i32
      %dma_start3A_437 = arith.constant 6 : i32
      %dma_start3A_438 = arith.constant 0 : i32
      %dma_start3A_439 = arith.constant 0 : i32
      %dma_start3A_440 = arith.constant 0 : i32
      %dma_start3A_441 = tpu.memref_slice %arg6[%dma_start3A_436, %dma_start3A_438, %dma_start3A_439, %dma_start3A_440] : memref<2x8x200x32xf32, #tpu.memory_space<vmem>> -> memref<1x8x200x32xf32, #tpu.memory_space<vmem>>
      %dma_start3A_442 = tpu.memref_squeeze %dma_start3A_441 : memref<1x8x200x32xf32, #tpu.memory_space<vmem>> -> memref<8x200x32xf32, #tpu.memory_space<vmem>>
      %dma_start3A_443 = arith.constant 0 : i32
      %dma_start3A_444 = arith.constant 0 : i32
      %dma_start3A_445 = tpu.memref_slice %dma_start3A_442[%dma_start3A_437, %dma_start3A_443, %dma_start3A_444] : memref<8x200x32xf32, #tpu.memory_space<vmem>> -> memref<1x200x32xf32, #tpu.memory_space<vmem>>
      %dma_start3A_446 = tpu.memref_squeeze %dma_start3A_445 : memref<1x200x32xf32, #tpu.memory_space<vmem>> -> memref<200x32xf32, #tpu.memory_space<vmem>>
      %dma_start3A_447 = arith.constant 0 : i32
      %dma_start3A_448 = arith.constant 0 : i32
      %dma_start3A_449 = tpu.memref_slice %arg5[%dma_start3A_434, %dma_start3A_447, %dma_start3A_448] : memref<2x8x200xi32, #tpu.memory_space<vmem>> -> memref<1x8x200xi32, #tpu.memory_space<vmem>>
      %dma_start3A_450 = tpu.memref_squeeze %dma_start3A_449 : memref<1x8x200xi32, #tpu.memory_space<vmem>> -> memref<8x200xi32, #tpu.memory_space<vmem>>
      %dma_start3A_451 = arith.constant 0 : i32
      %dma_start3A_452 = tpu.memref_slice %dma_start3A_450[%dma_start3A_435, %dma_start3A_451] : memref<8x200xi32, #tpu.memory_space<vmem>> -> memref<1x200xi32, #tpu.memory_space<vmem>>
      %dma_start3A_453 = tpu.memref_squeeze %dma_start3A_452 : memref<1x200xi32, #tpu.memory_space<vmem>> -> memref<200xi32, #tpu.memory_space<vmem>>
      %dma_start3A_454 = arith.constant 0 : i32
      %dma_start3A_455 = arith.constant 0 : i32
      %dma_start3A_456 = tpu.memref_slice %arg3[%dma_start3A_454, %dma_start3A_455] : memref<1000000x32xf32, #tpu.memory_space<hbm>> -> memref<1000000x32xf32, #tpu.memory_space<hbm>>
      tpu.enqueue_indirect_dma source(%dma_start3A_456 : memref<1000000x32xf32, #tpu.memory_space<hbm>>) target(%dma_start3A_446 : memref<200x32xf32, #tpu.memory_space<vmem>>) offsets(%dma_start3A_453 : memref<200xi32, #tpu.memory_space<vmem>>) semaphore(%arg8 : memref<!tpu.dma_semaphore, #tpu.memory_space<semaphore_mem>>)
      %dma_start3A_457 = arith.constant 0 : i32
      %dma_start3A_458 = arith.constant 7 : i32
      %dma_start3A_459 = arith.constant 0 : i32
      %dma_start3A_460 = arith.constant 7 : i32
      %dma_start3A_461 = arith.constant 0 : i32
      %dma_start3A_462 = arith.constant 0 : i32
      %dma_start3A_463 = arith.constant 0 : i32
      %dma_start3A_464 = tpu.memref_slice %arg6[%dma_start3A_459, %dma_start3A_461, %dma_start3A_462, %dma_start3A_463] : memref<2x8x200x32xf32, #tpu.memory_space<vmem>> -> memref<1x8x200x32xf32, #tpu.memory_space<vmem>>
      %dma_start3A_465 = tpu.memref_squeeze %dma_start3A_464 : memref<1x8x200x32xf32, #tpu.memory_space<vmem>> -> memref<8x200x32xf32, #tpu.memory_space<vmem>>
      %dma_start3A_466 = arith.constant 0 : i32
      %dma_start3A_467 = arith.constant 0 : i32
      %dma_start3A_468 = tpu.memref_slice %dma_start3A_465[%dma_start3A_460, %dma_start3A_466, %dma_start3A_467] : memref<8x200x32xf32, #tpu.memory_space<vmem>> -> memref<1x200x32xf32, #tpu.memory_space<vmem>>
      %dma_start3A_469 = tpu.memref_squeeze %dma_start3A_468 : memref<1x200x32xf32, #tpu.memory_space<vmem>> -> memref<200x32xf32, #tpu.memory_space<vmem>>
      %dma_start3A_470 = arith.constant 0 : i32
      %dma_start3A_471 = arith.constant 0 : i32
      %dma_start3A_472 = tpu.memref_slice %arg5[%dma_start3A_457, %dma_start3A_470, %dma_start3A_471] : memref<2x8x200xi32, #tpu.memory_space<vmem>> -> memref<1x8x200xi32, #tpu.memory_space<vmem>>
      %dma_start3A_473 = tpu.memref_squeeze %dma_start3A_472 : memref<1x8x200xi32, #tpu.memory_space<vmem>> -> memref<8x200xi32, #tpu.memory_space<vmem>>
      %dma_start3A_474 = arith.constant 0 : i32
      %dma_start3A_475 = tpu.memref_slice %dma_start3A_473[%dma_start3A_458, %dma_start3A_474] : memref<8x200xi32, #tpu.memory_space<vmem>> -> memref<1x200xi32, #tpu.memory_space<vmem>>
      %dma_start3A_476 = tpu.memref_squeeze %dma_start3A_475 : memref<1x200xi32, #tpu.memory_space<vmem>> -> memref<200xi32, #tpu.memory_space<vmem>>
      %dma_start3A_477 = arith.constant 0 : i32
      %dma_start3A_478 = arith.constant 0 : i32
      %dma_start3A_479 = tpu.memref_slice %arg3[%dma_start3A_477, %dma_start3A_478] : memref<1000000x32xf32, #tpu.memory_space<hbm>> -> memref<1000000x32xf32, #tpu.memory_space<hbm>>
      tpu.enqueue_indirect_dma source(%dma_start3A_479 : memref<1000000x32xf32, #tpu.memory_space<hbm>>) target(%dma_start3A_469 : memref<200x32xf32, #tpu.memory_space<vmem>>) offsets(%dma_start3A_476 : memref<200xi32, #tpu.memory_space<vmem>>) semaphore(%arg8 : memref<!tpu.dma_semaphore, #tpu.memory_space<semaphore_mem>>)
      %gt3A_480 = arith.constant 0 : i32
      %gt3A_481 = arith.cmpi sgt, %scan3A_273, %gt3A_480 : i32
      %convert_element_type3A_482 = arith.extui %gt3A_481 : i1 to i32
      %cond3A_483 = arith.constant 0 : i32
      %cond3A_484 = arith.cmpi ne, %convert_element_type3A_482, %cond3A_483 : i32
      scf.if %cond3A_484 {
        %sub3A_935 = arith.constant 8 : i32
        %sub3A_936 = arith.subi %add3A_280, %sub3A_935 : i32
        %dma_wait3A_937 = arith.constant 1 : i32
        %dma_wait3A_938 = arith.constant 0 : i32
        %dma_wait3A_939 = arith.constant 1 : i32
        %dma_wait3A_940 = arith.constant 0 : i32
        %dma_wait3A_941 = arith.constant 0 : i32
        %dma_wait3A_942 = arith.constant 0 : i32
        %dma_wait3A_943 = arith.constant 0 : i32
        %dma_wait3A_944 = tpu.memref_slice %arg6[%dma_wait3A_939, %dma_wait3A_941, %dma_wait3A_942, %dma_wait3A_943] : memref<2x8x200x32xf32, #tpu.memory_space<vmem>> -> memref<1x8x200x32xf32, #tpu.memory_space<vmem>>
        %dma_wait3A_945 = tpu.memref_squeeze %dma_wait3A_944 : memref<1x8x200x32xf32, #tpu.memory_space<vmem>> -> memref<8x200x32xf32, #tpu.memory_space<vmem>>
        %dma_wait3A_946 = arith.constant 0 : i32
        %dma_wait3A_947 = arith.constant 0 : i32
        %dma_wait3A_948 = tpu.memref_slice %dma_wait3A_945[%dma_wait3A_940, %dma_wait3A_946, %dma_wait3A_947] : memref<8x200x32xf32, #tpu.memory_space<vmem>> -> memref<1x200x32xf32, #tpu.memory_space<vmem>>
        %dma_wait3A_949 = tpu.memref_squeeze %dma_wait3A_948 : memref<1x200x32xf32, #tpu.memory_space<vmem>> -> memref<200x32xf32, #tpu.memory_space<vmem>>
        %dma_wait3A_950 = arith.constant 0 : i32
        %dma_wait3A_951 = arith.constant 0 : i32
        %dma_wait3A_952 = tpu.memref_slice %arg5[%dma_wait3A_937, %dma_wait3A_950, %dma_wait3A_951] : memref<2x8x200xi32, #tpu.memory_space<vmem>> -> memref<1x8x200xi32, #tpu.memory_space<vmem>>
        %dma_wait3A_953 = tpu.memref_squeeze %dma_wait3A_952 : memref<1x8x200xi32, #tpu.memory_space<vmem>> -> memref<8x200xi32, #tpu.memory_space<vmem>>
        %dma_wait3A_954 = arith.constant 0 : i32
        %dma_wait3A_955 = tpu.memref_slice %dma_wait3A_953[%dma_wait3A_938, %dma_wait3A_954] : memref<8x200xi32, #tpu.memory_space<vmem>> -> memref<1x200xi32, #tpu.memory_space<vmem>>
        %dma_wait3A_956 = tpu.memref_squeeze %dma_wait3A_955 : memref<1x200xi32, #tpu.memory_space<vmem>> -> memref<200xi32, #tpu.memory_space<vmem>>
        %dma_wait3A_957 = arith.constant 0 : i32
        %dma_wait3A_958 = arith.constant 0 : i32
        %dma_wait3A_959 = tpu.memref_slice %arg3[%dma_wait3A_957, %dma_wait3A_958] : memref<1000000x32xf32, #tpu.memory_space<hbm>> -> memref<1000000x32xf32, #tpu.memory_space<hbm>>
        tpu.wait_indirect_dma semaphore(%arg9 : memref<!tpu.dma_semaphore, #tpu.memory_space<semaphore_mem>>) src(%dma_wait3A_959 : memref<1000000x32xf32, #tpu.memory_space<hbm>>) dst(%dma_wait3A_949 : memref<200x32xf32, #tpu.memory_space<vmem>>)
        %dma_wait3A_960 = arith.constant 1 : i32
        %dma_wait3A_961 = arith.constant 1 : i32
        %dma_wait3A_962 = arith.constant 1 : i32
        %dma_wait3A_963 = arith.constant 1 : i32
        %dma_wait3A_964 = arith.constant 0 : i32
        %dma_wait3A_965 = arith.constant 0 : i32
        %dma_wait3A_966 = arith.constant 0 : i32
        %dma_wait3A_967 = tpu.memref_slice %arg6[%dma_wait3A_962, %dma_wait3A_964, %dma_wait3A_965, %dma_wait3A_966] : memref<2x8x200x32xf32, #tpu.memory_space<vmem>> -> memref<1x8x200x32xf32, #tpu.memory_space<vmem>>
        %dma_wait3A_968 = tpu.memref_squeeze %dma_wait3A_967 : memref<1x8x200x32xf32, #tpu.memory_space<vmem>> -> memref<8x200x32xf32, #tpu.memory_space<vmem>>
        %dma_wait3A_969 = arith.constant 0 : i32
        %dma_wait3A_970 = arith.constant 0 : i32
        %dma_wait3A_971 = tpu.memref_slice %dma_wait3A_968[%dma_wait3A_963, %dma_wait3A_969, %dma_wait3A_970] : memref<8x200x32xf32, #tpu.memory_space<vmem>> -> memref<1x200x32xf32, #tpu.memory_space<vmem>>
        %dma_wait3A_972 = tpu.memref_squeeze %dma_wait3A_971 : memref<1x200x32xf32, #tpu.memory_space<vmem>> -> memref<200x32xf32, #tpu.memory_space<vmem>>
        %dma_wait3A_973 = arith.constant 0 : i32
        %dma_wait3A_974 = arith.constant 0 : i32
        %dma_wait3A_975 = tpu.memref_slice %arg5[%dma_wait3A_960, %dma_wait3A_973, %dma_wait3A_974] : memref<2x8x200xi32, #tpu.memory_space<vmem>> -> memref<1x8x200xi32, #tpu.memory_space<vmem>>
        %dma_wait3A_976 = tpu.memref_squeeze %dma_wait3A_975 : memref<1x8x200xi32, #tpu.memory_space<vmem>> -> memref<8x200xi32, #tpu.memory_space<vmem>>
        %dma_wait3A_977 = arith.constant 0 : i32
        %dma_wait3A_978 = tpu.memref_slice %dma_wait3A_976[%dma_wait3A_961, %dma_wait3A_977] : memref<8x200xi32, #tpu.memory_space<vmem>> -> memref<1x200xi32, #tpu.memory_space<vmem>>
        %dma_wait3A_979 = tpu.memref_squeeze %dma_wait3A_978 : memref<1x200xi32, #tpu.memory_space<vmem>> -> memref<200xi32, #tpu.memory_space<vmem>>
        %dma_wait3A_980 = arith.constant 0 : i32
        %dma_wait3A_981 = arith.constant 0 : i32
        %dma_wait3A_982 = tpu.memref_slice %arg3[%dma_wait3A_980, %dma_wait3A_981] : memref<1000000x32xf32, #tpu.memory_space<hbm>> -> memref<1000000x32xf32, #tpu.memory_space<hbm>>
        tpu.wait_indirect_dma semaphore(%arg9 : memref<!tpu.dma_semaphore, #tpu.memory_space<semaphore_mem>>) src(%dma_wait3A_982 : memref<1000000x32xf32, #tpu.memory_space<hbm>>) dst(%dma_wait3A_972 : memref<200x32xf32, #tpu.memory_space<vmem>>)
        %dma_wait3A_983 = arith.constant 1 : i32
        %dma_wait3A_984 = arith.constant 2 : i32
        %dma_wait3A_985 = arith.constant 1 : i32
        %dma_wait3A_986 = arith.constant 2 : i32
        %dma_wait3A_987 = arith.constant 0 : i32
        %dma_wait3A_988 = arith.constant 0 : i32
        %dma_wait3A_989 = arith.constant 0 : i32
        %dma_wait3A_990 = tpu.memref_slice %arg6[%dma_wait3A_985, %dma_wait3A_987, %dma_wait3A_988, %dma_wait3A_989] : memref<2x8x200x32xf32, #tpu.memory_space<vmem>> -> memref<1x8x200x32xf32, #tpu.memory_space<vmem>>
        %dma_wait3A_991 = tpu.memref_squeeze %dma_wait3A_990 : memref<1x8x200x32xf32, #tpu.memory_space<vmem>> -> memref<8x200x32xf32, #tpu.memory_space<vmem>>
        %dma_wait3A_992 = arith.constant 0 : i32
        %dma_wait3A_993 = arith.constant 0 : i32
        %dma_wait3A_994 = tpu.memref_slice %dma_wait3A_991[%dma_wait3A_986, %dma_wait3A_992, %dma_wait3A_993] : memref<8x200x32xf32, #tpu.memory_space<vmem>> -> memref<1x200x32xf32, #tpu.memory_space<vmem>>
        %dma_wait3A_995 = tpu.memref_squeeze %dma_wait3A_994 : memref<1x200x32xf32, #tpu.memory_space<vmem>> -> memref<200x32xf32, #tpu.memory_space<vmem>>
        %dma_wait3A_996 = arith.constant 0 : i32
        %dma_wait3A_997 = arith.constant 0 : i32
        %dma_wait3A_998 = tpu.memref_slice %arg5[%dma_wait3A_983, %dma_wait3A_996, %dma_wait3A_997] : memref<2x8x200xi32, #tpu.memory_space<vmem>> -> memref<1x8x200xi32, #tpu.memory_space<vmem>>
        %dma_wait3A_999 = tpu.memref_squeeze %dma_wait3A_998 : memref<1x8x200xi32, #tpu.memory_space<vmem>> -> memref<8x200xi32, #tpu.memory_space<vmem>>
        %dma_wait3A_1000 = arith.constant 0 : i32
        %dma_wait3A_1001 = tpu.memref_slice %dma_wait3A_999[%dma_wait3A_984, %dma_wait3A_1000] : memref<8x200xi32, #tpu.memory_space<vmem>> -> memref<1x200xi32, #tpu.memory_space<vmem>>
        %dma_wait3A_1002 = tpu.memref_squeeze %dma_wait3A_1001 : memref<1x200xi32, #tpu.memory_space<vmem>> -> memref<200xi32, #tpu.memory_space<vmem>>
        %dma_wait3A_1003 = arith.constant 0 : i32
        %dma_wait3A_1004 = arith.constant 0 : i32
        %dma_wait3A_1005 = tpu.memref_slice %arg3[%dma_wait3A_1003, %dma_wait3A_1004] : memref<1000000x32xf32, #tpu.memory_space<hbm>> -> memref<1000000x32xf32, #tpu.memory_space<hbm>>
        tpu.wait_indirect_dma semaphore(%arg9 : memref<!tpu.dma_semaphore, #tpu.memory_space<semaphore_mem>>) src(%dma_wait3A_1005 : memref<1000000x32xf32, #tpu.memory_space<hbm>>) dst(%dma_wait3A_995 : memref<200x32xf32, #tpu.memory_space<vmem>>)
        %dma_wait3A_1006 = arith.constant 1 : i32
        %dma_wait3A_1007 = arith.constant 3 : i32
        %dma_wait3A_1008 = arith.constant 1 : i32
        %dma_wait3A_1009 = arith.constant 3 : i32
        %dma_wait3A_1010 = arith.constant 0 : i32
        %dma_wait3A_1011 = arith.constant 0 : i32
        %dma_wait3A_1012 = arith.constant 0 : i32
        %dma_wait3A_1013 = tpu.memref_slice %arg6[%dma_wait3A_1008, %dma_wait3A_1010, %dma_wait3A_1011, %dma_wait3A_1012] : memref<2x8x200x32xf32, #tpu.memory_space<vmem>> -> memref<1x8x200x32xf32, #tpu.memory_space<vmem>>
        %dma_wait3A_1014 = tpu.memref_squeeze %dma_wait3A_1013 : memref<1x8x200x32xf32, #tpu.memory_space<vmem>> -> memref<8x200x32xf32, #tpu.memory_space<vmem>>
        %dma_wait3A_1015 = arith.constant 0 : i32
        %dma_wait3A_1016 = arith.constant 0 : i32
        %dma_wait3A_1017 = tpu.memref_slice %dma_wait3A_1014[%dma_wait3A_1009, %dma_wait3A_1015, %dma_wait3A_1016] : memref<8x200x32xf32, #tpu.memory_space<vmem>> -> memref<1x200x32xf32, #tpu.memory_space<vmem>>
        %dma_wait3A_1018 = tpu.memref_squeeze %dma_wait3A_1017 : memref<1x200x32xf32, #tpu.memory_space<vmem>> -> memref<200x32xf32, #tpu.memory_space<vmem>>
        %dma_wait3A_1019 = arith.constant 0 : i32
        %dma_wait3A_1020 = arith.constant 0 : i32
        %dma_wait3A_1021 = tpu.memref_slice %arg5[%dma_wait3A_1006, %dma_wait3A_1019, %dma_wait3A_1020] : memref<2x8x200xi32, #tpu.memory_space<vmem>> -> memref<1x8x200xi32, #tpu.memory_space<vmem>>
        %dma_wait3A_1022 = tpu.memref_squeeze %dma_wait3A_1021 : memref<1x8x200xi32, #tpu.memory_space<vmem>> -> memref<8x200xi32, #tpu.memory_space<vmem>>
        %dma_wait3A_1023 = arith.constant 0 : i32
        %dma_wait3A_1024 = tpu.memref_slice %dma_wait3A_1022[%dma_wait3A_1007, %dma_wait3A_1023] : memref<8x200xi32, #tpu.memory_space<vmem>> -> memref<1x200xi32, #tpu.memory_space<vmem>>
        %dma_wait3A_1025 = tpu.memref_squeeze %dma_wait3A_1024 : memref<1x200xi32, #tpu.memory_space<vmem>> -> memref<200xi32, #tpu.memory_space<vmem>>
        %dma_wait3A_1026 = arith.constant 0 : i32
        %dma_wait3A_1027 = arith.constant 0 : i32
        %dma_wait3A_1028 = tpu.memref_slice %arg3[%dma_wait3A_1026, %dma_wait3A_1027] : memref<1000000x32xf32, #tpu.memory_space<hbm>> -> memref<1000000x32xf32, #tpu.memory_space<hbm>>
        tpu.wait_indirect_dma semaphore(%arg9 : memref<!tpu.dma_semaphore, #tpu.memory_space<semaphore_mem>>) src(%dma_wait3A_1028 : memref<1000000x32xf32, #tpu.memory_space<hbm>>) dst(%dma_wait3A_1018 : memref<200x32xf32, #tpu.memory_space<vmem>>)
        %dma_wait3A_1029 = arith.constant 1 : i32
        %dma_wait3A_1030 = arith.constant 4 : i32
        %dma_wait3A_1031 = arith.constant 1 : i32
        %dma_wait3A_1032 = arith.constant 4 : i32
        %dma_wait3A_1033 = arith.constant 0 : i32
        %dma_wait3A_1034 = arith.constant 0 : i32
        %dma_wait3A_1035 = arith.constant 0 : i32
        %dma_wait3A_1036 = tpu.memref_slice %arg6[%dma_wait3A_1031, %dma_wait3A_1033, %dma_wait3A_1034, %dma_wait3A_1035] : memref<2x8x200x32xf32, #tpu.memory_space<vmem>> -> memref<1x8x200x32xf32, #tpu.memory_space<vmem>>
        %dma_wait3A_1037 = tpu.memref_squeeze %dma_wait3A_1036 : memref<1x8x200x32xf32, #tpu.memory_space<vmem>> -> memref<8x200x32xf32, #tpu.memory_space<vmem>>
        %dma_wait3A_1038 = arith.constant 0 : i32
        %dma_wait3A_1039 = arith.constant 0 : i32
        %dma_wait3A_1040 = tpu.memref_slice %dma_wait3A_1037[%dma_wait3A_1032, %dma_wait3A_1038, %dma_wait3A_1039] : memref<8x200x32xf32, #tpu.memory_space<vmem>> -> memref<1x200x32xf32, #tpu.memory_space<vmem>>
        %dma_wait3A_1041 = tpu.memref_squeeze %dma_wait3A_1040 : memref<1x200x32xf32, #tpu.memory_space<vmem>> -> memref<200x32xf32, #tpu.memory_space<vmem>>
        %dma_wait3A_1042 = arith.constant 0 : i32
        %dma_wait3A_1043 = arith.constant 0 : i32
        %dma_wait3A_1044 = tpu.memref_slice %arg5[%dma_wait3A_1029, %dma_wait3A_1042, %dma_wait3A_1043] : memref<2x8x200xi32, #tpu.memory_space<vmem>> -> memref<1x8x200xi32, #tpu.memory_space<vmem>>
        %dma_wait3A_1045 = tpu.memref_squeeze %dma_wait3A_1044 : memref<1x8x200xi32, #tpu.memory_space<vmem>> -> memref<8x200xi32, #tpu.memory_space<vmem>>
        %dma_wait3A_1046 = arith.constant 0 : i32
        %dma_wait3A_1047 = tpu.memref_slice %dma_wait3A_1045[%dma_wait3A_1030, %dma_wait3A_1046] : memref<8x200xi32, #tpu.memory_space<vmem>> -> memref<1x200xi32, #tpu.memory_space<vmem>>
        %dma_wait3A_1048 = tpu.memref_squeeze %dma_wait3A_1047 : memref<1x200xi32, #tpu.memory_space<vmem>> -> memref<200xi32, #tpu.memory_space<vmem>>
        %dma_wait3A_1049 = arith.constant 0 : i32
        %dma_wait3A_1050 = arith.constant 0 : i32
        %dma_wait3A_1051 = tpu.memref_slice %arg3[%dma_wait3A_1049, %dma_wait3A_1050] : memref<1000000x32xf32, #tpu.memory_space<hbm>> -> memref<1000000x32xf32, #tpu.memory_space<hbm>>
        tpu.wait_indirect_dma semaphore(%arg9 : memref<!tpu.dma_semaphore, #tpu.memory_space<semaphore_mem>>) src(%dma_wait3A_1051 : memref<1000000x32xf32, #tpu.memory_space<hbm>>) dst(%dma_wait3A_1041 : memref<200x32xf32, #tpu.memory_space<vmem>>)
        %dma_wait3A_1052 = arith.constant 1 : i32
        %dma_wait3A_1053 = arith.constant 5 : i32
        %dma_wait3A_1054 = arith.constant 1 : i32
        %dma_wait3A_1055 = arith.constant 5 : i32
        %dma_wait3A_1056 = arith.constant 0 : i32
        %dma_wait3A_1057 = arith.constant 0 : i32
        %dma_wait3A_1058 = arith.constant 0 : i32
        %dma_wait3A_1059 = tpu.memref_slice %arg6[%dma_wait3A_1054, %dma_wait3A_1056, %dma_wait3A_1057, %dma_wait3A_1058] : memref<2x8x200x32xf32, #tpu.memory_space<vmem>> -> memref<1x8x200x32xf32, #tpu.memory_space<vmem>>
        %dma_wait3A_1060 = tpu.memref_squeeze %dma_wait3A_1059 : memref<1x8x200x32xf32, #tpu.memory_space<vmem>> -> memref<8x200x32xf32, #tpu.memory_space<vmem>>
        %dma_wait3A_1061 = arith.constant 0 : i32
        %dma_wait3A_1062 = arith.constant 0 : i32
        %dma_wait3A_1063 = tpu.memref_slice %dma_wait3A_1060[%dma_wait3A_1055, %dma_wait3A_1061, %dma_wait3A_1062] : memref<8x200x32xf32, #tpu.memory_space<vmem>> -> memref<1x200x32xf32, #tpu.memory_space<vmem>>
        %dma_wait3A_1064 = tpu.memref_squeeze %dma_wait3A_1063 : memref<1x200x32xf32, #tpu.memory_space<vmem>> -> memref<200x32xf32, #tpu.memory_space<vmem>>
        %dma_wait3A_1065 = arith.constant 0 : i32
        %dma_wait3A_1066 = arith.constant 0 : i32
        %dma_wait3A_1067 = tpu.memref_slice %arg5[%dma_wait3A_1052, %dma_wait3A_1065, %dma_wait3A_1066] : memref<2x8x200xi32, #tpu.memory_space<vmem>> -> memref<1x8x200xi32, #tpu.memory_space<vmem>>
        %dma_wait3A_1068 = tpu.memref_squeeze %dma_wait3A_1067 : memref<1x8x200xi32, #tpu.memory_space<vmem>> -> memref<8x200xi32, #tpu.memory_space<vmem>>
        %dma_wait3A_1069 = arith.constant 0 : i32
        %dma_wait3A_1070 = tpu.memref_slice %dma_wait3A_1068[%dma_wait3A_1053, %dma_wait3A_1069] : memref<8x200xi32, #tpu.memory_space<vmem>> -> memref<1x200xi32, #tpu.memory_space<vmem>>
        %dma_wait3A_1071 = tpu.memref_squeeze %dma_wait3A_1070 : memref<1x200xi32, #tpu.memory_space<vmem>> -> memref<200xi32, #tpu.memory_space<vmem>>
        %dma_wait3A_1072 = arith.constant 0 : i32
        %dma_wait3A_1073 = arith.constant 0 : i32
        %dma_wait3A_1074 = tpu.memref_slice %arg3[%dma_wait3A_1072, %dma_wait3A_1073] : memref<1000000x32xf32, #tpu.memory_space<hbm>> -> memref<1000000x32xf32, #tpu.memory_space<hbm>>
        tpu.wait_indirect_dma semaphore(%arg9 : memref<!tpu.dma_semaphore, #tpu.memory_space<semaphore_mem>>) src(%dma_wait3A_1074 : memref<1000000x32xf32, #tpu.memory_space<hbm>>) dst(%dma_wait3A_1064 : memref<200x32xf32, #tpu.memory_space<vmem>>)
        %dma_wait3A_1075 = arith.constant 1 : i32
        %dma_wait3A_1076 = arith.constant 6 : i32
        %dma_wait3A_1077 = arith.constant 1 : i32
        %dma_wait3A_1078 = arith.constant 6 : i32
        %dma_wait3A_1079 = arith.constant 0 : i32
        %dma_wait3A_1080 = arith.constant 0 : i32
        %dma_wait3A_1081 = arith.constant 0 : i32
        %dma_wait3A_1082 = tpu.memref_slice %arg6[%dma_wait3A_1077, %dma_wait3A_1079, %dma_wait3A_1080, %dma_wait3A_1081] : memref<2x8x200x32xf32, #tpu.memory_space<vmem>> -> memref<1x8x200x32xf32, #tpu.memory_space<vmem>>
        %dma_wait3A_1083 = tpu.memref_squeeze %dma_wait3A_1082 : memref<1x8x200x32xf32, #tpu.memory_space<vmem>> -> memref<8x200x32xf32, #tpu.memory_space<vmem>>
        %dma_wait3A_1084 = arith.constant 0 : i32
        %dma_wait3A_1085 = arith.constant 0 : i32
        %dma_wait3A_1086 = tpu.memref_slice %dma_wait3A_1083[%dma_wait3A_1078, %dma_wait3A_1084, %dma_wait3A_1085] : memref<8x200x32xf32, #tpu.memory_space<vmem>> -> memref<1x200x32xf32, #tpu.memory_space<vmem>>
        %dma_wait3A_1087 = tpu.memref_squeeze %dma_wait3A_1086 : memref<1x200x32xf32, #tpu.memory_space<vmem>> -> memref<200x32xf32, #tpu.memory_space<vmem>>
        %dma_wait3A_1088 = arith.constant 0 : i32
        %dma_wait3A_1089 = arith.constant 0 : i32
        %dma_wait3A_1090 = tpu.memref_slice %arg5[%dma_wait3A_1075, %dma_wait3A_1088, %dma_wait3A_1089] : memref<2x8x200xi32, #tpu.memory_space<vmem>> -> memref<1x8x200xi32, #tpu.memory_space<vmem>>
        %dma_wait3A_1091 = tpu.memref_squeeze %dma_wait3A_1090 : memref<1x8x200xi32, #tpu.memory_space<vmem>> -> memref<8x200xi32, #tpu.memory_space<vmem>>
        %dma_wait3A_1092 = arith.constant 0 : i32
        %dma_wait3A_1093 = tpu.memref_slice %dma_wait3A_1091[%dma_wait3A_1076, %dma_wait3A_1092] : memref<8x200xi32, #tpu.memory_space<vmem>> -> memref<1x200xi32, #tpu.memory_space<vmem>>
        %dma_wait3A_1094 = tpu.memref_squeeze %dma_wait3A_1093 : memref<1x200xi32, #tpu.memory_space<vmem>> -> memref<200xi32, #tpu.memory_space<vmem>>
        %dma_wait3A_1095 = arith.constant 0 : i32
        %dma_wait3A_1096 = arith.constant 0 : i32
        %dma_wait3A_1097 = tpu.memref_slice %arg3[%dma_wait3A_1095, %dma_wait3A_1096] : memref<1000000x32xf32, #tpu.memory_space<hbm>> -> memref<1000000x32xf32, #tpu.memory_space<hbm>>
        tpu.wait_indirect_dma semaphore(%arg9 : memref<!tpu.dma_semaphore, #tpu.memory_space<semaphore_mem>>) src(%dma_wait3A_1097 : memref<1000000x32xf32, #tpu.memory_space<hbm>>) dst(%dma_wait3A_1087 : memref<200x32xf32, #tpu.memory_space<vmem>>)
        %dma_wait3A_1098 = arith.constant 1 : i32
        %dma_wait3A_1099 = arith.constant 7 : i32
        %dma_wait3A_1100 = arith.constant 1 : i32
        %dma_wait3A_1101 = arith.constant 7 : i32
        %dma_wait3A_1102 = arith.constant 0 : i32
        %dma_wait3A_1103 = arith.constant 0 : i32
        %dma_wait3A_1104 = arith.constant 0 : i32
        %dma_wait3A_1105 = tpu.memref_slice %arg6[%dma_wait3A_1100, %dma_wait3A_1102, %dma_wait3A_1103, %dma_wait3A_1104] : memref<2x8x200x32xf32, #tpu.memory_space<vmem>> -> memref<1x8x200x32xf32, #tpu.memory_space<vmem>>
        %dma_wait3A_1106 = tpu.memref_squeeze %dma_wait3A_1105 : memref<1x8x200x32xf32, #tpu.memory_space<vmem>> -> memref<8x200x32xf32, #tpu.memory_space<vmem>>
        %dma_wait3A_1107 = arith.constant 0 : i32
        %dma_wait3A_1108 = arith.constant 0 : i32
        %dma_wait3A_1109 = tpu.memref_slice %dma_wait3A_1106[%dma_wait3A_1101, %dma_wait3A_1107, %dma_wait3A_1108] : memref<8x200x32xf32, #tpu.memory_space<vmem>> -> memref<1x200x32xf32, #tpu.memory_space<vmem>>
        %dma_wait3A_1110 = tpu.memref_squeeze %dma_wait3A_1109 : memref<1x200x32xf32, #tpu.memory_space<vmem>> -> memref<200x32xf32, #tpu.memory_space<vmem>>
        %dma_wait3A_1111 = arith.constant 0 : i32
        %dma_wait3A_1112 = arith.constant 0 : i32
        %dma_wait3A_1113 = tpu.memref_slice %arg5[%dma_wait3A_1098, %dma_wait3A_1111, %dma_wait3A_1112] : memref<2x8x200xi32, #tpu.memory_space<vmem>> -> memref<1x8x200xi32, #tpu.memory_space<vmem>>
        %dma_wait3A_1114 = tpu.memref_squeeze %dma_wait3A_1113 : memref<1x8x200xi32, #tpu.memory_space<vmem>> -> memref<8x200xi32, #tpu.memory_space<vmem>>
        %dma_wait3A_1115 = arith.constant 0 : i32
        %dma_wait3A_1116 = tpu.memref_slice %dma_wait3A_1114[%dma_wait3A_1099, %dma_wait3A_1115] : memref<8x200xi32, #tpu.memory_space<vmem>> -> memref<1x200xi32, #tpu.memory_space<vmem>>
        %dma_wait3A_1117 = tpu.memref_squeeze %dma_wait3A_1116 : memref<1x200xi32, #tpu.memory_space<vmem>> -> memref<200xi32, #tpu.memory_space<vmem>>
        %dma_wait3A_1118 = arith.constant 0 : i32
        %dma_wait3A_1119 = arith.constant 0 : i32
        %dma_wait3A_1120 = tpu.memref_slice %arg3[%dma_wait3A_1118, %dma_wait3A_1119] : memref<1000000x32xf32, #tpu.memory_space<hbm>> -> memref<1000000x32xf32, #tpu.memory_space<hbm>>
        tpu.wait_indirect_dma semaphore(%arg9 : memref<!tpu.dma_semaphore, #tpu.memory_space<semaphore_mem>>) src(%dma_wait3A_1120 : memref<1000000x32xf32, #tpu.memory_space<hbm>>) dst(%dma_wait3A_1110 : memref<200x32xf32, #tpu.memory_space<vmem>>)
        %dma_start3A_1121 = arith.constant 1 : i32
        %dma_start3A_1122 = arith.constant 0 : i32
        %dma_start3A_1123 = arith.constant 0 : i32
        %dma_start3A_1124 = arith.constant 0 : i32
        %dma_start3A_1125 = tpu.memref_slice %arg6[%dma_start3A_1121, %dma_start3A_1122, %dma_start3A_1123, %dma_start3A_1124] : memref<2x8x200x32xf32, #tpu.memory_space<vmem>> -> memref<1x8x200x32xf32, #tpu.memory_space<vmem>>
        %dma_start3A_1126 = tpu.memref_squeeze %dma_start3A_1125 : memref<1x8x200x32xf32, #tpu.memory_space<vmem>> -> memref<8x200x32xf32, #tpu.memory_space<vmem>>
        %dma_start3A_1127 = arith.constant 0 : i32
        %dma_start3A_1128 = arith.constant 0 : i32
        %dma_start3A_1129 = tpu.memref_slice %arg4[%sub3A_936, %dma_start3A_1127, %dma_start3A_1128] : memref<16384x200x32xf32, #tpu.memory_space<hbm>> -> memref<8x200x32xf32, #tpu.memory_space<hbm>>
        %dma_start3A_1130 = arith.constant 0 : i32
        %dma_start3A_1131 = arith.constant 0 : i32
        %dma_start3A_1132 = tpu.memref_slice %arg4[%sub3A_936, %dma_start3A_1130, %dma_start3A_1131] : memref<16384x200x32xf32, #tpu.memory_space<hbm>> -> memref<8x200x32xf32, #tpu.memory_space<hbm>>
        %dma_start3A_1133 = arith.constant 0 : i32
        %dma_start3A_1134 = arith.constant 0 : i32
        %dma_start3A_1135 = arith.constant 0 : i32
        %dma_start3A_1136 = tpu.memref_slice %arg6[%dma_start3A_1121, %dma_start3A_1133, %dma_start3A_1134, %dma_start3A_1135] : memref<2x8x200x32xf32, #tpu.memory_space<vmem>> -> memref<1x8x200x32xf32, #tpu.memory_space<vmem>>
        %dma_start3A_1137 = tpu.memref_squeeze %dma_start3A_1136 : memref<1x8x200x32xf32, #tpu.memory_space<vmem>> -> memref<8x200x32xf32, #tpu.memory_space<vmem>>
        tpu.enqueue_dma source(%dma_start3A_1137 : memref<8x200x32xf32, #tpu.memory_space<vmem>>) target(%dma_start3A_1132 : memref<8x200x32xf32, #tpu.memory_space<hbm>>) target_semaphore(%arg11 : memref<!tpu.dma_semaphore, #tpu.memory_space<semaphore_mem>>)
      } else {
      }
      %add3A_485 = arith.constant 1 : i32
      %add3A_486 = arith.addi %add3A_277, %add3A_485 : i32
      %min3A = arith.constant 63 : i32
      %min3A_487 = arith.minsi %add3A_486, %min3A : i32
      %mul3A_488 = arith.constant 8 : i32
      %mul3A_489 = arith.muli %min3A_487, %mul3A_488 : i32
      %add3A_490 = arith.addi %mul3A_2, %mul3A_489 : i32
      %dma_start3A_491 = arith.constant 1 : i32
      %dma_start3A_492 = arith.constant 0 : i32
      %dma_start3A_493 = arith.constant 0 : i32
      %dma_start3A_494 = tpu.memref_slice %arg5[%dma_start3A_491, %dma_start3A_492, %dma_start3A_493] : memref<2x8x200xi32, #tpu.memory_space<vmem>> -> memref<1x8x200xi32, #tpu.memory_space<vmem>>
      %dma_start3A_495 = tpu.memref_squeeze %dma_start3A_494 : memref<1x8x200xi32, #tpu.memory_space<vmem>> -> memref<8x200xi32, #tpu.memory_space<vmem>>
      %dma_start3A_496 = arith.constant 0 : i32
      %dma_start3A_497 = tpu.memref_slice %arg2[%add3A_490, %dma_start3A_496] : memref<16384x200xi32, #tpu.memory_space<hbm>> -> memref<8x200xi32, #tpu.memory_space<hbm>>
      %dma_start3A_498 = arith.constant 0 : i32
      %dma_start3A_499 = arith.constant 0 : i32
      %dma_start3A_500 = tpu.memref_slice %arg5[%dma_start3A_491, %dma_start3A_498, %dma_start3A_499] : memref<2x8x200xi32, #tpu.memory_space<vmem>> -> memref<1x8x200xi32, #tpu.memory_space<vmem>>
      %dma_start3A_501 = tpu.memref_squeeze %dma_start3A_500 : memref<1x8x200xi32, #tpu.memory_space<vmem>> -> memref<8x200xi32, #tpu.memory_space<vmem>>
      %dma_start3A_502 = arith.constant 0 : i32
      %dma_start3A_503 = tpu.memref_slice %arg2[%add3A_490, %dma_start3A_502] : memref<16384x200xi32, #tpu.memory_space<hbm>> -> memref<8x200xi32, #tpu.memory_space<hbm>>
      tpu.enqueue_dma source(%dma_start3A_503 : memref<8x200xi32, #tpu.memory_space<hbm>>) target(%dma_start3A_501 : memref<8x200xi32, #tpu.memory_space<vmem>>) target_semaphore(%arg7 : memref<!tpu.dma_semaphore, #tpu.memory_space<semaphore_mem>>)
      %mul3A_504 = arith.constant 2 : i32
      %mul3A_505 = arith.muli %mul3A_504, %scan3A_273 : i32
      %add3A_506 = arith.constant 1 : i32
      %add3A_507 = arith.addi %mul3A_505, %add3A_506 : i32
      %mul3A_508 = arith.constant 8 : i32
      %mul3A_509 = arith.muli %add3A_507, %mul3A_508 : i32
      %add3A_510 = arith.addi %mul3A_2, %mul3A_509 : i32
      %gt3A_511 = arith.constant 0 : i32
      %gt3A_512 = arith.cmpi sgt, %scan3A_273, %gt3A_511 : i32
      %convert_element_type3A_513 = arith.extui %gt3A_512 : i1 to i32
      %cond3A_514 = arith.constant 0 : i32
      %cond3A_515 = arith.cmpi ne, %convert_element_type3A_513, %cond3A_514 : i32
      scf.if %cond3A_515 {
        %dma_wait3A_935 = arith.constant 1 : i32
        %dma_wait3A_936 = arith.constant 0 : i32
        %dma_wait3A_937 = arith.constant 0 : i32
        %dma_wait3A_938 = arith.constant 0 : i32
        %dma_wait3A_939 = tpu.memref_slice %arg6[%dma_wait3A_935, %dma_wait3A_936, %dma_wait3A_937, %dma_wait3A_938] : memref<2x8x200x32xf32, #tpu.memory_space<vmem>> -> memref<1x8x200x32xf32, #tpu.memory_space<vmem>>
        %dma_wait3A_940 = tpu.memref_squeeze %dma_wait3A_939 : memref<1x8x200x32xf32, #tpu.memory_space<vmem>> -> memref<8x200x32xf32, #tpu.memory_space<vmem>>
        %dma_wait3A_941 = arith.constant 0 : i32
        %dma_wait3A_942 = arith.constant 0 : i32
        %dma_wait3A_943 = tpu.memref_slice %arg4[%add3A_510, %dma_wait3A_941, %dma_wait3A_942] : memref<16384x200x32xf32, #tpu.memory_space<hbm>> -> memref<8x200x32xf32, #tpu.memory_space<hbm>>
        %dma_wait3A_944 = arith.constant 0 : i32
        %dma_wait3A_945 = arith.constant 0 : i32
        %dma_wait3A_946 = tpu.memref_slice %arg4[%add3A_510, %dma_wait3A_944, %dma_wait3A_945] : memref<16384x200x32xf32, #tpu.memory_space<hbm>> -> memref<8x200x32xf32, #tpu.memory_space<hbm>>
        %dma_wait3A_947 = arith.constant 0 : i32
        %dma_wait3A_948 = arith.constant 0 : i32
        %dma_wait3A_949 = arith.constant 0 : i32
        %dma_wait3A_950 = tpu.memref_slice %arg6[%dma_wait3A_935, %dma_wait3A_947, %dma_wait3A_948, %dma_wait3A_949] : memref<2x8x200x32xf32, #tpu.memory_space<vmem>> -> memref<1x8x200x32xf32, #tpu.memory_space<vmem>>
        %dma_wait3A_951 = tpu.memref_squeeze %dma_wait3A_950 : memref<1x8x200x32xf32, #tpu.memory_space<vmem>> -> memref<8x200x32xf32, #tpu.memory_space<vmem>>
        tpu.wait_dma2 semaphore(%arg11 : memref<!tpu.dma_semaphore, #tpu.memory_space<semaphore_mem>>) src(%dma_wait3A_951 : memref<8x200x32xf32, #tpu.memory_space<vmem>>) dst(%dma_wait3A_946 : memref<8x200x32xf32, #tpu.memory_space<hbm>>)
      } else {
      }
      %dma_wait3A_516 = arith.constant 1 : i32
      %dma_wait3A_517 = arith.constant 0 : i32
      %dma_wait3A_518 = arith.constant 0 : i32
      %dma_wait3A_519 = tpu.memref_slice %arg5[%dma_wait3A_516, %dma_wait3A_517, %dma_wait3A_518] : memref<2x8x200xi32, #tpu.memory_space<vmem>> -> memref<1x8x200xi32, #tpu.memory_space<vmem>>
      %dma_wait3A_520 = tpu.memref_squeeze %dma_wait3A_519 : memref<1x8x200xi32, #tpu.memory_space<vmem>> -> memref<8x200xi32, #tpu.memory_space<vmem>>
      %dma_wait3A_521 = arith.constant 0 : i32
      %dma_wait3A_522 = tpu.memref_slice %arg2[%add3A_510, %dma_wait3A_521] : memref<16384x200xi32, #tpu.memory_space<hbm>> -> memref<8x200xi32, #tpu.memory_space<hbm>>
      %dma_wait3A_523 = arith.constant 0 : i32
      %dma_wait3A_524 = arith.constant 0 : i32
      %dma_wait3A_525 = tpu.memref_slice %arg5[%dma_wait3A_516, %dma_wait3A_523, %dma_wait3A_524] : memref<2x8x200xi32, #tpu.memory_space<vmem>> -> memref<1x8x200xi32, #tpu.memory_space<vmem>>
      %dma_wait3A_526 = tpu.memref_squeeze %dma_wait3A_525 : memref<1x8x200xi32, #tpu.memory_space<vmem>> -> memref<8x200xi32, #tpu.memory_space<vmem>>
      %dma_wait3A_527 = arith.constant 0 : i32
      %dma_wait3A_528 = tpu.memref_slice %arg2[%add3A_510, %dma_wait3A_527] : memref<16384x200xi32, #tpu.memory_space<hbm>> -> memref<8x200xi32, #tpu.memory_space<hbm>>
      tpu.wait_dma2 semaphore(%arg7 : memref<!tpu.dma_semaphore, #tpu.memory_space<semaphore_mem>>) src(%dma_wait3A_528 : memref<8x200xi32, #tpu.memory_space<hbm>>) dst(%dma_wait3A_526 : memref<8x200xi32, #tpu.memory_space<vmem>>)
      %dma_start3A_529 = arith.constant 1 : i32
      %dma_start3A_530 = arith.constant 0 : i32
      %dma_start3A_531 = arith.constant 1 : i32
      %dma_start3A_532 = arith.constant 0 : i32
      %dma_start3A_533 = arith.constant 0 : i32
      %dma_start3A_534 = arith.constant 0 : i32
      %dma_start3A_535 = arith.constant 0 : i32
      %dma_start3A_536 = tpu.memref_slice %arg6[%dma_start3A_531, %dma_start3A_533, %dma_start3A_534, %dma_start3A_535] : memref<2x8x200x32xf32, #tpu.memory_space<vmem>> -> memref<1x8x200x32xf32, #tpu.memory_space<vmem>>
      %dma_start3A_537 = tpu.memref_squeeze %dma_start3A_536 : memref<1x8x200x32xf32, #tpu.memory_space<vmem>> -> memref<8x200x32xf32, #tpu.memory_space<vmem>>
      %dma_start3A_538 = arith.constant 0 : i32
      %dma_start3A_539 = arith.constant 0 : i32
      %dma_start3A_540 = tpu.memref_slice %dma_start3A_537[%dma_start3A_532, %dma_start3A_538, %dma_start3A_539] : memref<8x200x32xf32, #tpu.memory_space<vmem>> -> memref<1x200x32xf32, #tpu.memory_space<vmem>>
      %dma_start3A_541 = tpu.memref_squeeze %dma_start3A_540 : memref<1x200x32xf32, #tpu.memory_space<vmem>> -> memref<200x32xf32, #tpu.memory_space<vmem>>
      %dma_start3A_542 = arith.constant 0 : i32
      %dma_start3A_543 = arith.constant 0 : i32
      %dma_start3A_544 = tpu.memref_slice %arg5[%dma_start3A_529, %dma_start3A_542, %dma_start3A_543] : memref<2x8x200xi32, #tpu.memory_space<vmem>> -> memref<1x8x200xi32, #tpu.memory_space<vmem>>
      %dma_start3A_545 = tpu.memref_squeeze %dma_start3A_544 : memref<1x8x200xi32, #tpu.memory_space<vmem>> -> memref<8x200xi32, #tpu.memory_space<vmem>>
      %dma_start3A_546 = arith.constant 0 : i32
      %dma_start3A_547 = tpu.memref_slice %dma_start3A_545[%dma_start3A_530, %dma_start3A_546] : memref<8x200xi32, #tpu.memory_space<vmem>> -> memref<1x200xi32, #tpu.memory_space<vmem>>
      %dma_start3A_548 = tpu.memref_squeeze %dma_start3A_547 : memref<1x200xi32, #tpu.memory_space<vmem>> -> memref<200xi32, #tpu.memory_space<vmem>>
      %dma_start3A_549 = arith.constant 0 : i32
      %dma_start3A_550 = arith.constant 0 : i32
      %dma_start3A_551 = tpu.memref_slice %arg3[%dma_start3A_549, %dma_start3A_550] : memref<1000000x32xf32, #tpu.memory_space<hbm>> -> memref<1000000x32xf32, #tpu.memory_space<hbm>>
      tpu.enqueue_indirect_dma source(%dma_start3A_551 : memref<1000000x32xf32, #tpu.memory_space<hbm>>) target(%dma_start3A_541 : memref<200x32xf32, #tpu.memory_space<vmem>>) offsets(%dma_start3A_548 : memref<200xi32, #tpu.memory_space<vmem>>) semaphore(%arg9 : memref<!tpu.dma_semaphore, #tpu.memory_space<semaphore_mem>>)
      %dma_start3A_552 = arith.constant 1 : i32
      %dma_start3A_553 = arith.constant 1 : i32
      %dma_start3A_554 = arith.constant 1 : i32
      %dma_start3A_555 = arith.constant 1 : i32
      %dma_start3A_556 = arith.constant 0 : i32
      %dma_start3A_557 = arith.constant 0 : i32
      %dma_start3A_558 = arith.constant 0 : i32
      %dma_start3A_559 = tpu.memref_slice %arg6[%dma_start3A_554, %dma_start3A_556, %dma_start3A_557, %dma_start3A_558] : memref<2x8x200x32xf32, #tpu.memory_space<vmem>> -> memref<1x8x200x32xf32, #tpu.memory_space<vmem>>
      %dma_start3A_560 = tpu.memref_squeeze %dma_start3A_559 : memref<1x8x200x32xf32, #tpu.memory_space<vmem>> -> memref<8x200x32xf32, #tpu.memory_space<vmem>>
      %dma_start3A_561 = arith.constant 0 : i32
      %dma_start3A_562 = arith.constant 0 : i32
      %dma_start3A_563 = tpu.memref_slice %dma_start3A_560[%dma_start3A_555, %dma_start3A_561, %dma_start3A_562] : memref<8x200x32xf32, #tpu.memory_space<vmem>> -> memref<1x200x32xf32, #tpu.memory_space<vmem>>
      %dma_start3A_564 = tpu.memref_squeeze %dma_start3A_563 : memref<1x200x32xf32, #tpu.memory_space<vmem>> -> memref<200x32xf32, #tpu.memory_space<vmem>>
      %dma_start3A_565 = arith.constant 0 : i32
      %dma_start3A_566 = arith.constant 0 : i32
      %dma_start3A_567 = tpu.memref_slice %arg5[%dma_start3A_552, %dma_start3A_565, %dma_start3A_566] : memref<2x8x200xi32, #tpu.memory_space<vmem>> -> memref<1x8x200xi32, #tpu.memory_space<vmem>>
      %dma_start3A_568 = tpu.memref_squeeze %dma_start3A_567 : memref<1x8x200xi32, #tpu.memory_space<vmem>> -> memref<8x200xi32, #tpu.memory_space<vmem>>
      %dma_start3A_569 = arith.constant 0 : i32
      %dma_start3A_570 = tpu.memref_slice %dma_start3A_568[%dma_start3A_553, %dma_start3A_569] : memref<8x200xi32, #tpu.memory_space<vmem>> -> memref<1x200xi32, #tpu.memory_space<vmem>>
      %dma_start3A_571 = tpu.memref_squeeze %dma_start3A_570 : memref<1x200xi32, #tpu.memory_space<vmem>> -> memref<200xi32, #tpu.memory_space<vmem>>
      %dma_start3A_572 = arith.constant 0 : i32
      %dma_start3A_573 = arith.constant 0 : i32
      %dma_start3A_574 = tpu.memref_slice %arg3[%dma_start3A_572, %dma_start3A_573] : memref<1000000x32xf32, #tpu.memory_space<hbm>> -> memref<1000000x32xf32, #tpu.memory_space<hbm>>
      tpu.enqueue_indirect_dma source(%dma_start3A_574 : memref<1000000x32xf32, #tpu.memory_space<hbm>>) target(%dma_start3A_564 : memref<200x32xf32, #tpu.memory_space<vmem>>) offsets(%dma_start3A_571 : memref<200xi32, #tpu.memory_space<vmem>>) semaphore(%arg9 : memref<!tpu.dma_semaphore, #tpu.memory_space<semaphore_mem>>)
      %dma_start3A_575 = arith.constant 1 : i32
      %dma_start3A_576 = arith.constant 2 : i32
      %dma_start3A_577 = arith.constant 1 : i32
      %dma_start3A_578 = arith.constant 2 : i32
      %dma_start3A_579 = arith.constant 0 : i32
      %dma_start3A_580 = arith.constant 0 : i32
      %dma_start3A_581 = arith.constant 0 : i32
      %dma_start3A_582 = tpu.memref_slice %arg6[%dma_start3A_577, %dma_start3A_579, %dma_start3A_580, %dma_start3A_581] : memref<2x8x200x32xf32, #tpu.memory_space<vmem>> -> memref<1x8x200x32xf32, #tpu.memory_space<vmem>>
      %dma_start3A_583 = tpu.memref_squeeze %dma_start3A_582 : memref<1x8x200x32xf32, #tpu.memory_space<vmem>> -> memref<8x200x32xf32, #tpu.memory_space<vmem>>
      %dma_start3A_584 = arith.constant 0 : i32
      %dma_start3A_585 = arith.constant 0 : i32
      %dma_start3A_586 = tpu.memref_slice %dma_start3A_583[%dma_start3A_578, %dma_start3A_584, %dma_start3A_585] : memref<8x200x32xf32, #tpu.memory_space<vmem>> -> memref<1x200x32xf32, #tpu.memory_space<vmem>>
      %dma_start3A_587 = tpu.memref_squeeze %dma_start3A_586 : memref<1x200x32xf32, #tpu.memory_space<vmem>> -> memref<200x32xf32, #tpu.memory_space<vmem>>
      %dma_start3A_588 = arith.constant 0 : i32
      %dma_start3A_589 = arith.constant 0 : i32
      %dma_start3A_590 = tpu.memref_slice %arg5[%dma_start3A_575, %dma_start3A_588, %dma_start3A_589] : memref<2x8x200xi32, #tpu.memory_space<vmem>> -> memref<1x8x200xi32, #tpu.memory_space<vmem>>
      %dma_start3A_591 = tpu.memref_squeeze %dma_start3A_590 : memref<1x8x200xi32, #tpu.memory_space<vmem>> -> memref<8x200xi32, #tpu.memory_space<vmem>>
      %dma_start3A_592 = arith.constant 0 : i32
      %dma_start3A_593 = tpu.memref_slice %dma_start3A_591[%dma_start3A_576, %dma_start3A_592] : memref<8x200xi32, #tpu.memory_space<vmem>> -> memref<1x200xi32, #tpu.memory_space<vmem>>
      %dma_start3A_594 = tpu.memref_squeeze %dma_start3A_593 : memref<1x200xi32, #tpu.memory_space<vmem>> -> memref<200xi32, #tpu.memory_space<vmem>>
      %dma_start3A_595 = arith.constant 0 : i32
      %dma_start3A_596 = arith.constant 0 : i32
      %dma_start3A_597 = tpu.memref_slice %arg3[%dma_start3A_595, %dma_start3A_596] : memref<1000000x32xf32, #tpu.memory_space<hbm>> -> memref<1000000x32xf32, #tpu.memory_space<hbm>>
      tpu.enqueue_indirect_dma source(%dma_start3A_597 : memref<1000000x32xf32, #tpu.memory_space<hbm>>) target(%dma_start3A_587 : memref<200x32xf32, #tpu.memory_space<vmem>>) offsets(%dma_start3A_594 : memref<200xi32, #tpu.memory_space<vmem>>) semaphore(%arg9 : memref<!tpu.dma_semaphore, #tpu.memory_space<semaphore_mem>>)
      %dma_start3A_598 = arith.constant 1 : i32
      %dma_start3A_599 = arith.constant 3 : i32
      %dma_start3A_600 = arith.constant 1 : i32
      %dma_start3A_601 = arith.constant 3 : i32
      %dma_start3A_602 = arith.constant 0 : i32
      %dma_start3A_603 = arith.constant 0 : i32
      %dma_start3A_604 = arith.constant 0 : i32
      %dma_start3A_605 = tpu.memref_slice %arg6[%dma_start3A_600, %dma_start3A_602, %dma_start3A_603, %dma_start3A_604] : memref<2x8x200x32xf32, #tpu.memory_space<vmem>> -> memref<1x8x200x32xf32, #tpu.memory_space<vmem>>
      %dma_start3A_606 = tpu.memref_squeeze %dma_start3A_605 : memref<1x8x200x32xf32, #tpu.memory_space<vmem>> -> memref<8x200x32xf32, #tpu.memory_space<vmem>>
      %dma_start3A_607 = arith.constant 0 : i32
      %dma_start3A_608 = arith.constant 0 : i32
      %dma_start3A_609 = tpu.memref_slice %dma_start3A_606[%dma_start3A_601, %dma_start3A_607, %dma_start3A_608] : memref<8x200x32xf32, #tpu.memory_space<vmem>> -> memref<1x200x32xf32, #tpu.memory_space<vmem>>
      %dma_start3A_610 = tpu.memref_squeeze %dma_start3A_609 : memref<1x200x32xf32, #tpu.memory_space<vmem>> -> memref<200x32xf32, #tpu.memory_space<vmem>>
      %dma_start3A_611 = arith.constant 0 : i32
      %dma_start3A_612 = arith.constant 0 : i32
      %dma_start3A_613 = tpu.memref_slice %arg5[%dma_start3A_598, %dma_start3A_611, %dma_start3A_612] : memref<2x8x200xi32, #tpu.memory_space<vmem>> -> memref<1x8x200xi32, #tpu.memory_space<vmem>>
      %dma_start3A_614 = tpu.memref_squeeze %dma_start3A_613 : memref<1x8x200xi32, #tpu.memory_space<vmem>> -> memref<8x200xi32, #tpu.memory_space<vmem>>
      %dma_start3A_615 = arith.constant 0 : i32
      %dma_start3A_616 = tpu.memref_slice %dma_start3A_614[%dma_start3A_599, %dma_start3A_615] : memref<8x200xi32, #tpu.memory_space<vmem>> -> memref<1x200xi32, #tpu.memory_space<vmem>>
      %dma_start3A_617 = tpu.memref_squeeze %dma_start3A_616 : memref<1x200xi32, #tpu.memory_space<vmem>> -> memref<200xi32, #tpu.memory_space<vmem>>
      %dma_start3A_618 = arith.constant 0 : i32
      %dma_start3A_619 = arith.constant 0 : i32
      %dma_start3A_620 = tpu.memref_slice %arg3[%dma_start3A_618, %dma_start3A_619] : memref<1000000x32xf32, #tpu.memory_space<hbm>> -> memref<1000000x32xf32, #tpu.memory_space<hbm>>
      tpu.enqueue_indirect_dma source(%dma_start3A_620 : memref<1000000x32xf32, #tpu.memory_space<hbm>>) target(%dma_start3A_610 : memref<200x32xf32, #tpu.memory_space<vmem>>) offsets(%dma_start3A_617 : memref<200xi32, #tpu.memory_space<vmem>>) semaphore(%arg9 : memref<!tpu.dma_semaphore, #tpu.memory_space<semaphore_mem>>)
      %dma_start3A_621 = arith.constant 1 : i32
      %dma_start3A_622 = arith.constant 4 : i32
      %dma_start3A_623 = arith.constant 1 : i32
      %dma_start3A_624 = arith.constant 4 : i32
      %dma_start3A_625 = arith.constant 0 : i32
      %dma_start3A_626 = arith.constant 0 : i32
      %dma_start3A_627 = arith.constant 0 : i32
      %dma_start3A_628 = tpu.memref_slice %arg6[%dma_start3A_623, %dma_start3A_625, %dma_start3A_626, %dma_start3A_627] : memref<2x8x200x32xf32, #tpu.memory_space<vmem>> -> memref<1x8x200x32xf32, #tpu.memory_space<vmem>>
      %dma_start3A_629 = tpu.memref_squeeze %dma_start3A_628 : memref<1x8x200x32xf32, #tpu.memory_space<vmem>> -> memref<8x200x32xf32, #tpu.memory_space<vmem>>
      %dma_start3A_630 = arith.constant 0 : i32
      %dma_start3A_631 = arith.constant 0 : i32
      %dma_start3A_632 = tpu.memref_slice %dma_start3A_629[%dma_start3A_624, %dma_start3A_630, %dma_start3A_631] : memref<8x200x32xf32, #tpu.memory_space<vmem>> -> memref<1x200x32xf32, #tpu.memory_space<vmem>>
      %dma_start3A_633 = tpu.memref_squeeze %dma_start3A_632 : memref<1x200x32xf32, #tpu.memory_space<vmem>> -> memref<200x32xf32, #tpu.memory_space<vmem>>
      %dma_start3A_634 = arith.constant 0 : i32
      %dma_start3A_635 = arith.constant 0 : i32
      %dma_start3A_636 = tpu.memref_slice %arg5[%dma_start3A_621, %dma_start3A_634, %dma_start3A_635] : memref<2x8x200xi32, #tpu.memory_space<vmem>> -> memref<1x8x200xi32, #tpu.memory_space<vmem>>
      %dma_start3A_637 = tpu.memref_squeeze %dma_start3A_636 : memref<1x8x200xi32, #tpu.memory_space<vmem>> -> memref<8x200xi32, #tpu.memory_space<vmem>>
      %dma_start3A_638 = arith.constant 0 : i32
      %dma_start3A_639 = tpu.memref_slice %dma_start3A_637[%dma_start3A_622, %dma_start3A_638] : memref<8x200xi32, #tpu.memory_space<vmem>> -> memref<1x200xi32, #tpu.memory_space<vmem>>
      %dma_start3A_640 = tpu.memref_squeeze %dma_start3A_639 : memref<1x200xi32, #tpu.memory_space<vmem>> -> memref<200xi32, #tpu.memory_space<vmem>>
      %dma_start3A_641 = arith.constant 0 : i32
      %dma_start3A_642 = arith.constant 0 : i32
      %dma_start3A_643 = tpu.memref_slice %arg3[%dma_start3A_641, %dma_start3A_642] : memref<1000000x32xf32, #tpu.memory_space<hbm>> -> memref<1000000x32xf32, #tpu.memory_space<hbm>>
      tpu.enqueue_indirect_dma source(%dma_start3A_643 : memref<1000000x32xf32, #tpu.memory_space<hbm>>) target(%dma_start3A_633 : memref<200x32xf32, #tpu.memory_space<vmem>>) offsets(%dma_start3A_640 : memref<200xi32, #tpu.memory_space<vmem>>) semaphore(%arg9 : memref<!tpu.dma_semaphore, #tpu.memory_space<semaphore_mem>>)
      %dma_start3A_644 = arith.constant 1 : i32
      %dma_start3A_645 = arith.constant 5 : i32
      %dma_start3A_646 = arith.constant 1 : i32
      %dma_start3A_647 = arith.constant 5 : i32
      %dma_start3A_648 = arith.constant 0 : i32
      %dma_start3A_649 = arith.constant 0 : i32
      %dma_start3A_650 = arith.constant 0 : i32
      %dma_start3A_651 = tpu.memref_slice %arg6[%dma_start3A_646, %dma_start3A_648, %dma_start3A_649, %dma_start3A_650] : memref<2x8x200x32xf32, #tpu.memory_space<vmem>> -> memref<1x8x200x32xf32, #tpu.memory_space<vmem>>
      %dma_start3A_652 = tpu.memref_squeeze %dma_start3A_651 : memref<1x8x200x32xf32, #tpu.memory_space<vmem>> -> memref<8x200x32xf32, #tpu.memory_space<vmem>>
      %dma_start3A_653 = arith.constant 0 : i32
      %dma_start3A_654 = arith.constant 0 : i32
      %dma_start3A_655 = tpu.memref_slice %dma_start3A_652[%dma_start3A_647, %dma_start3A_653, %dma_start3A_654] : memref<8x200x32xf32, #tpu.memory_space<vmem>> -> memref<1x200x32xf32, #tpu.memory_space<vmem>>
      %dma_start3A_656 = tpu.memref_squeeze %dma_start3A_655 : memref<1x200x32xf32, #tpu.memory_space<vmem>> -> memref<200x32xf32, #tpu.memory_space<vmem>>
      %dma_start3A_657 = arith.constant 0 : i32
      %dma_start3A_658 = arith.constant 0 : i32
      %dma_start3A_659 = tpu.memref_slice %arg5[%dma_start3A_644, %dma_start3A_657, %dma_start3A_658] : memref<2x8x200xi32, #tpu.memory_space<vmem>> -> memref<1x8x200xi32, #tpu.memory_space<vmem>>
      %dma_start3A_660 = tpu.memref_squeeze %dma_start3A_659 : memref<1x8x200xi32, #tpu.memory_space<vmem>> -> memref<8x200xi32, #tpu.memory_space<vmem>>
      %dma_start3A_661 = arith.constant 0 : i32
      %dma_start3A_662 = tpu.memref_slice %dma_start3A_660[%dma_start3A_645, %dma_start3A_661] : memref<8x200xi32, #tpu.memory_space<vmem>> -> memref<1x200xi32, #tpu.memory_space<vmem>>
      %dma_start3A_663 = tpu.memref_squeeze %dma_start3A_662 : memref<1x200xi32, #tpu.memory_space<vmem>> -> memref<200xi32, #tpu.memory_space<vmem>>
      %dma_start3A_664 = arith.constant 0 : i32
      %dma_start3A_665 = arith.constant 0 : i32
      %dma_start3A_666 = tpu.memref_slice %arg3[%dma_start3A_664, %dma_start3A_665] : memref<1000000x32xf32, #tpu.memory_space<hbm>> -> memref<1000000x32xf32, #tpu.memory_space<hbm>>
      tpu.enqueue_indirect_dma source(%dma_start3A_666 : memref<1000000x32xf32, #tpu.memory_space<hbm>>) target(%dma_start3A_656 : memref<200x32xf32, #tpu.memory_space<vmem>>) offsets(%dma_start3A_663 : memref<200xi32, #tpu.memory_space<vmem>>) semaphore(%arg9 : memref<!tpu.dma_semaphore, #tpu.memory_space<semaphore_mem>>)
      %dma_start3A_667 = arith.constant 1 : i32
      %dma_start3A_668 = arith.constant 6 : i32
      %dma_start3A_669 = arith.constant 1 : i32
      %dma_start3A_670 = arith.constant 6 : i32
      %dma_start3A_671 = arith.constant 0 : i32
      %dma_start3A_672 = arith.constant 0 : i32
      %dma_start3A_673 = arith.constant 0 : i32
      %dma_start3A_674 = tpu.memref_slice %arg6[%dma_start3A_669, %dma_start3A_671, %dma_start3A_672, %dma_start3A_673] : memref<2x8x200x32xf32, #tpu.memory_space<vmem>> -> memref<1x8x200x32xf32, #tpu.memory_space<vmem>>
      %dma_start3A_675 = tpu.memref_squeeze %dma_start3A_674 : memref<1x8x200x32xf32, #tpu.memory_space<vmem>> -> memref<8x200x32xf32, #tpu.memory_space<vmem>>
      %dma_start3A_676 = arith.constant 0 : i32
      %dma_start3A_677 = arith.constant 0 : i32
      %dma_start3A_678 = tpu.memref_slice %dma_start3A_675[%dma_start3A_670, %dma_start3A_676, %dma_start3A_677] : memref<8x200x32xf32, #tpu.memory_space<vmem>> -> memref<1x200x32xf32, #tpu.memory_space<vmem>>
      %dma_start3A_679 = tpu.memref_squeeze %dma_start3A_678 : memref<1x200x32xf32, #tpu.memory_space<vmem>> -> memref<200x32xf32, #tpu.memory_space<vmem>>
      %dma_start3A_680 = arith.constant 0 : i32
      %dma_start3A_681 = arith.constant 0 : i32
      %dma_start3A_682 = tpu.memref_slice %arg5[%dma_start3A_667, %dma_start3A_680, %dma_start3A_681] : memref<2x8x200xi32, #tpu.memory_space<vmem>> -> memref<1x8x200xi32, #tpu.memory_space<vmem>>
      %dma_start3A_683 = tpu.memref_squeeze %dma_start3A_682 : memref<1x8x200xi32, #tpu.memory_space<vmem>> -> memref<8x200xi32, #tpu.memory_space<vmem>>
      %dma_start3A_684 = arith.constant 0 : i32
      %dma_start3A_685 = tpu.memref_slice %dma_start3A_683[%dma_start3A_668, %dma_start3A_684] : memref<8x200xi32, #tpu.memory_space<vmem>> -> memref<1x200xi32, #tpu.memory_space<vmem>>
      %dma_start3A_686 = tpu.memref_squeeze %dma_start3A_685 : memref<1x200xi32, #tpu.memory_space<vmem>> -> memref<200xi32, #tpu.memory_space<vmem>>
      %dma_start3A_687 = arith.constant 0 : i32
      %dma_start3A_688 = arith.constant 0 : i32
      %dma_start3A_689 = tpu.memref_slice %arg3[%dma_start3A_687, %dma_start3A_688] : memref<1000000x32xf32, #tpu.memory_space<hbm>> -> memref<1000000x32xf32, #tpu.memory_space<hbm>>
      tpu.enqueue_indirect_dma source(%dma_start3A_689 : memref<1000000x32xf32, #tpu.memory_space<hbm>>) target(%dma_start3A_679 : memref<200x32xf32, #tpu.memory_space<vmem>>) offsets(%dma_start3A_686 : memref<200xi32, #tpu.memory_space<vmem>>) semaphore(%arg9 : memref<!tpu.dma_semaphore, #tpu.memory_space<semaphore_mem>>)
      %dma_start3A_690 = arith.constant 1 : i32
      %dma_start3A_691 = arith.constant 7 : i32
      %dma_start3A_692 = arith.constant 1 : i32
      %dma_start3A_693 = arith.constant 7 : i32
      %dma_start3A_694 = arith.constant 0 : i32
      %dma_start3A_695 = arith.constant 0 : i32
      %dma_start3A_696 = arith.constant 0 : i32
      %dma_start3A_697 = tpu.memref_slice %arg6[%dma_start3A_692, %dma_start3A_694, %dma_start3A_695, %dma_start3A_696] : memref<2x8x200x32xf32, #tpu.memory_space<vmem>> -> memref<1x8x200x32xf32, #tpu.memory_space<vmem>>
      %dma_start3A_698 = tpu.memref_squeeze %dma_start3A_697 : memref<1x8x200x32xf32, #tpu.memory_space<vmem>> -> memref<8x200x32xf32, #tpu.memory_space<vmem>>
      %dma_start3A_699 = arith.constant 0 : i32
      %dma_start3A_700 = arith.constant 0 : i32
      %dma_start3A_701 = tpu.memref_slice %dma_start3A_698[%dma_start3A_693, %dma_start3A_699, %dma_start3A_700] : memref<8x200x32xf32, #tpu.memory_space<vmem>> -> memref<1x200x32xf32, #tpu.memory_space<vmem>>
      %dma_start3A_702 = tpu.memref_squeeze %dma_start3A_701 : memref<1x200x32xf32, #tpu.memory_space<vmem>> -> memref<200x32xf32, #tpu.memory_space<vmem>>
      %dma_start3A_703 = arith.constant 0 : i32
      %dma_start3A_704 = arith.constant 0 : i32
      %dma_start3A_705 = tpu.memref_slice %arg5[%dma_start3A_690, %dma_start3A_703, %dma_start3A_704] : memref<2x8x200xi32, #tpu.memory_space<vmem>> -> memref<1x8x200xi32, #tpu.memory_space<vmem>>
      %dma_start3A_706 = tpu.memref_squeeze %dma_start3A_705 : memref<1x8x200xi32, #tpu.memory_space<vmem>> -> memref<8x200xi32, #tpu.memory_space<vmem>>
      %dma_start3A_707 = arith.constant 0 : i32
      %dma_start3A_708 = tpu.memref_slice %dma_start3A_706[%dma_start3A_691, %dma_start3A_707] : memref<8x200xi32, #tpu.memory_space<vmem>> -> memref<1x200xi32, #tpu.memory_space<vmem>>
      %dma_start3A_709 = tpu.memref_squeeze %dma_start3A_708 : memref<1x200xi32, #tpu.memory_space<vmem>> -> memref<200xi32, #tpu.memory_space<vmem>>
      %dma_start3A_710 = arith.constant 0 : i32
      %dma_start3A_711 = arith.constant 0 : i32
      %dma_start3A_712 = tpu.memref_slice %arg3[%dma_start3A_710, %dma_start3A_711] : memref<1000000x32xf32, #tpu.memory_space<hbm>> -> memref<1000000x32xf32, #tpu.memory_space<hbm>>
      tpu.enqueue_indirect_dma source(%dma_start3A_712 : memref<1000000x32xf32, #tpu.memory_space<hbm>>) target(%dma_start3A_702 : memref<200x32xf32, #tpu.memory_space<vmem>>) offsets(%dma_start3A_709 : memref<200xi32, #tpu.memory_space<vmem>>) semaphore(%arg9 : memref<!tpu.dma_semaphore, #tpu.memory_space<semaphore_mem>>)
      %sub3A = arith.constant 8 : i32
      %sub3A_713 = arith.subi %add3A_510, %sub3A : i32
      %dma_wait3A_714 = arith.constant 0 : i32
      %dma_wait3A_715 = arith.constant 0 : i32
      %dma_wait3A_716 = arith.constant 0 : i32
      %dma_wait3A_717 = arith.constant 0 : i32
      %dma_wait3A_718 = arith.constant 0 : i32
      %dma_wait3A_719 = arith.constant 0 : i32
      %dma_wait3A_720 = arith.constant 0 : i32
      %dma_wait3A_721 = tpu.memref_slice %arg6[%dma_wait3A_716, %dma_wait3A_718, %dma_wait3A_719, %dma_wait3A_720] : memref<2x8x200x32xf32, #tpu.memory_space<vmem>> -> memref<1x8x200x32xf32, #tpu.memory_space<vmem>>
      %dma_wait3A_722 = tpu.memref_squeeze %dma_wait3A_721 : memref<1x8x200x32xf32, #tpu.memory_space<vmem>> -> memref<8x200x32xf32, #tpu.memory_space<vmem>>
      %dma_wait3A_723 = arith.constant 0 : i32
      %dma_wait3A_724 = arith.constant 0 : i32
      %dma_wait3A_725 = tpu.memref_slice %dma_wait3A_722[%dma_wait3A_717, %dma_wait3A_723, %dma_wait3A_724] : memref<8x200x32xf32, #tpu.memory_space<vmem>> -> memref<1x200x32xf32, #tpu.memory_space<vmem>>
      %dma_wait3A_726 = tpu.memref_squeeze %dma_wait3A_725 : memref<1x200x32xf32, #tpu.memory_space<vmem>> -> memref<200x32xf32, #tpu.memory_space<vmem>>
      %dma_wait3A_727 = arith.constant 0 : i32
      %dma_wait3A_728 = arith.constant 0 : i32
      %dma_wait3A_729 = tpu.memref_slice %arg5[%dma_wait3A_714, %dma_wait3A_727, %dma_wait3A_728] : memref<2x8x200xi32, #tpu.memory_space<vmem>> -> memref<1x8x200xi32, #tpu.memory_space<vmem>>
      %dma_wait3A_730 = tpu.memref_squeeze %dma_wait3A_729 : memref<1x8x200xi32, #tpu.memory_space<vmem>> -> memref<8x200xi32, #tpu.memory_space<vmem>>
      %dma_wait3A_731 = arith.constant 0 : i32
      %dma_wait3A_732 = tpu.memref_slice %dma_wait3A_730[%dma_wait3A_715, %dma_wait3A_731] : memref<8x200xi32, #tpu.memory_space<vmem>> -> memref<1x200xi32, #tpu.memory_space<vmem>>
      %dma_wait3A_733 = tpu.memref_squeeze %dma_wait3A_732 : memref<1x200xi32, #tpu.memory_space<vmem>> -> memref<200xi32, #tpu.memory_space<vmem>>
      %dma_wait3A_734 = arith.constant 0 : i32
      %dma_wait3A_735 = arith.constant 0 : i32
      %dma_wait3A_736 = tpu.memref_slice %arg3[%dma_wait3A_734, %dma_wait3A_735] : memref<1000000x32xf32, #tpu.memory_space<hbm>> -> memref<1000000x32xf32, #tpu.memory_space<hbm>>
      tpu.wait_indirect_dma semaphore(%arg8 : memref<!tpu.dma_semaphore, #tpu.memory_space<semaphore_mem>>) src(%dma_wait3A_736 : memref<1000000x32xf32, #tpu.memory_space<hbm>>) dst(%dma_wait3A_726 : memref<200x32xf32, #tpu.memory_space<vmem>>)
      %dma_wait3A_737 = arith.constant 0 : i32
      %dma_wait3A_738 = arith.constant 1 : i32
      %dma_wait3A_739 = arith.constant 0 : i32
      %dma_wait3A_740 = arith.constant 1 : i32
      %dma_wait3A_741 = arith.constant 0 : i32
      %dma_wait3A_742 = arith.constant 0 : i32
      %dma_wait3A_743 = arith.constant 0 : i32
      %dma_wait3A_744 = tpu.memref_slice %arg6[%dma_wait3A_739, %dma_wait3A_741, %dma_wait3A_742, %dma_wait3A_743] : memref<2x8x200x32xf32, #tpu.memory_space<vmem>> -> memref<1x8x200x32xf32, #tpu.memory_space<vmem>>
      %dma_wait3A_745 = tpu.memref_squeeze %dma_wait3A_744 : memref<1x8x200x32xf32, #tpu.memory_space<vmem>> -> memref<8x200x32xf32, #tpu.memory_space<vmem>>
      %dma_wait3A_746 = arith.constant 0 : i32
      %dma_wait3A_747 = arith.constant 0 : i32
      %dma_wait3A_748 = tpu.memref_slice %dma_wait3A_745[%dma_wait3A_740, %dma_wait3A_746, %dma_wait3A_747] : memref<8x200x32xf32, #tpu.memory_space<vmem>> -> memref<1x200x32xf32, #tpu.memory_space<vmem>>
      %dma_wait3A_749 = tpu.memref_squeeze %dma_wait3A_748 : memref<1x200x32xf32, #tpu.memory_space<vmem>> -> memref<200x32xf32, #tpu.memory_space<vmem>>
      %dma_wait3A_750 = arith.constant 0 : i32
      %dma_wait3A_751 = arith.constant 0 : i32
      %dma_wait3A_752 = tpu.memref_slice %arg5[%dma_wait3A_737, %dma_wait3A_750, %dma_wait3A_751] : memref<2x8x200xi32, #tpu.memory_space<vmem>> -> memref<1x8x200xi32, #tpu.memory_space<vmem>>
      %dma_wait3A_753 = tpu.memref_squeeze %dma_wait3A_752 : memref<1x8x200xi32, #tpu.memory_space<vmem>> -> memref<8x200xi32, #tpu.memory_space<vmem>>
      %dma_wait3A_754 = arith.constant 0 : i32
      %dma_wait3A_755 = tpu.memref_slice %dma_wait3A_753[%dma_wait3A_738, %dma_wait3A_754] : memref<8x200xi32, #tpu.memory_space<vmem>> -> memref<1x200xi32, #tpu.memory_space<vmem>>
      %dma_wait3A_756 = tpu.memref_squeeze %dma_wait3A_755 : memref<1x200xi32, #tpu.memory_space<vmem>> -> memref<200xi32, #tpu.memory_space<vmem>>
      %dma_wait3A_757 = arith.constant 0 : i32
      %dma_wait3A_758 = arith.constant 0 : i32
      %dma_wait3A_759 = tpu.memref_slice %arg3[%dma_wait3A_757, %dma_wait3A_758] : memref<1000000x32xf32, #tpu.memory_space<hbm>> -> memref<1000000x32xf32, #tpu.memory_space<hbm>>
      tpu.wait_indirect_dma semaphore(%arg8 : memref<!tpu.dma_semaphore, #tpu.memory_space<semaphore_mem>>) src(%dma_wait3A_759 : memref<1000000x32xf32, #tpu.memory_space<hbm>>) dst(%dma_wait3A_749 : memref<200x32xf32, #tpu.memory_space<vmem>>)
      %dma_wait3A_760 = arith.constant 0 : i32
      %dma_wait3A_761 = arith.constant 2 : i32
      %dma_wait3A_762 = arith.constant 0 : i32
      %dma_wait3A_763 = arith.constant 2 : i32
      %dma_wait3A_764 = arith.constant 0 : i32
      %dma_wait3A_765 = arith.constant 0 : i32
      %dma_wait3A_766 = arith.constant 0 : i32
      %dma_wait3A_767 = tpu.memref_slice %arg6[%dma_wait3A_762, %dma_wait3A_764, %dma_wait3A_765, %dma_wait3A_766] : memref<2x8x200x32xf32, #tpu.memory_space<vmem>> -> memref<1x8x200x32xf32, #tpu.memory_space<vmem>>
      %dma_wait3A_768 = tpu.memref_squeeze %dma_wait3A_767 : memref<1x8x200x32xf32, #tpu.memory_space<vmem>> -> memref<8x200x32xf32, #tpu.memory_space<vmem>>
      %dma_wait3A_769 = arith.constant 0 : i32
      %dma_wait3A_770 = arith.constant 0 : i32
      %dma_wait3A_771 = tpu.memref_slice %dma_wait3A_768[%dma_wait3A_763, %dma_wait3A_769, %dma_wait3A_770] : memref<8x200x32xf32, #tpu.memory_space<vmem>> -> memref<1x200x32xf32, #tpu.memory_space<vmem>>
      %dma_wait3A_772 = tpu.memref_squeeze %dma_wait3A_771 : memref<1x200x32xf32, #tpu.memory_space<vmem>> -> memref<200x32xf32, #tpu.memory_space<vmem>>
      %dma_wait3A_773 = arith.constant 0 : i32
      %dma_wait3A_774 = arith.constant 0 : i32
      %dma_wait3A_775 = tpu.memref_slice %arg5[%dma_wait3A_760, %dma_wait3A_773, %dma_wait3A_774] : memref<2x8x200xi32, #tpu.memory_space<vmem>> -> memref<1x8x200xi32, #tpu.memory_space<vmem>>
      %dma_wait3A_776 = tpu.memref_squeeze %dma_wait3A_775 : memref<1x8x200xi32, #tpu.memory_space<vmem>> -> memref<8x200xi32, #tpu.memory_space<vmem>>
      %dma_wait3A_777 = arith.constant 0 : i32
      %dma_wait3A_778 = tpu.memref_slice %dma_wait3A_776[%dma_wait3A_761, %dma_wait3A_777] : memref<8x200xi32, #tpu.memory_space<vmem>> -> memref<1x200xi32, #tpu.memory_space<vmem>>
      %dma_wait3A_779 = tpu.memref_squeeze %dma_wait3A_778 : memref<1x200xi32, #tpu.memory_space<vmem>> -> memref<200xi32, #tpu.memory_space<vmem>>
      %dma_wait3A_780 = arith.constant 0 : i32
      %dma_wait3A_781 = arith.constant 0 : i32
      %dma_wait3A_782 = tpu.memref_slice %arg3[%dma_wait3A_780, %dma_wait3A_781] : memref<1000000x32xf32, #tpu.memory_space<hbm>> -> memref<1000000x32xf32, #tpu.memory_space<hbm>>
      tpu.wait_indirect_dma semaphore(%arg8 : memref<!tpu.dma_semaphore, #tpu.memory_space<semaphore_mem>>) src(%dma_wait3A_782 : memref<1000000x32xf32, #tpu.memory_space<hbm>>) dst(%dma_wait3A_772 : memref<200x32xf32, #tpu.memory_space<vmem>>)
      %dma_wait3A_783 = arith.constant 0 : i32
      %dma_wait3A_784 = arith.constant 3 : i32
      %dma_wait3A_785 = arith.constant 0 : i32
      %dma_wait3A_786 = arith.constant 3 : i32
      %dma_wait3A_787 = arith.constant 0 : i32
      %dma_wait3A_788 = arith.constant 0 : i32
      %dma_wait3A_789 = arith.constant 0 : i32
      %dma_wait3A_790 = tpu.memref_slice %arg6[%dma_wait3A_785, %dma_wait3A_787, %dma_wait3A_788, %dma_wait3A_789] : memref<2x8x200x32xf32, #tpu.memory_space<vmem>> -> memref<1x8x200x32xf32, #tpu.memory_space<vmem>>
      %dma_wait3A_791 = tpu.memref_squeeze %dma_wait3A_790 : memref<1x8x200x32xf32, #tpu.memory_space<vmem>> -> memref<8x200x32xf32, #tpu.memory_space<vmem>>
      %dma_wait3A_792 = arith.constant 0 : i32
      %dma_wait3A_793 = arith.constant 0 : i32
      %dma_wait3A_794 = tpu.memref_slice %dma_wait3A_791[%dma_wait3A_786, %dma_wait3A_792, %dma_wait3A_793] : memref<8x200x32xf32, #tpu.memory_space<vmem>> -> memref<1x200x32xf32, #tpu.memory_space<vmem>>
      %dma_wait3A_795 = tpu.memref_squeeze %dma_wait3A_794 : memref<1x200x32xf32, #tpu.memory_space<vmem>> -> memref<200x32xf32, #tpu.memory_space<vmem>>
      %dma_wait3A_796 = arith.constant 0 : i32
      %dma_wait3A_797 = arith.constant 0 : i32
      %dma_wait3A_798 = tpu.memref_slice %arg5[%dma_wait3A_783, %dma_wait3A_796, %dma_wait3A_797] : memref<2x8x200xi32, #tpu.memory_space<vmem>> -> memref<1x8x200xi32, #tpu.memory_space<vmem>>
      %dma_wait3A_799 = tpu.memref_squeeze %dma_wait3A_798 : memref<1x8x200xi32, #tpu.memory_space<vmem>> -> memref<8x200xi32, #tpu.memory_space<vmem>>
      %dma_wait3A_800 = arith.constant 0 : i32
      %dma_wait3A_801 = tpu.memref_slice %dma_wait3A_799[%dma_wait3A_784, %dma_wait3A_800] : memref<8x200xi32, #tpu.memory_space<vmem>> -> memref<1x200xi32, #tpu.memory_space<vmem>>
      %dma_wait3A_802 = tpu.memref_squeeze %dma_wait3A_801 : memref<1x200xi32, #tpu.memory_space<vmem>> -> memref<200xi32, #tpu.memory_space<vmem>>
      %dma_wait3A_803 = arith.constant 0 : i32
      %dma_wait3A_804 = arith.constant 0 : i32
      %dma_wait3A_805 = tpu.memref_slice %arg3[%dma_wait3A_803, %dma_wait3A_804] : memref<1000000x32xf32, #tpu.memory_space<hbm>> -> memref<1000000x32xf32, #tpu.memory_space<hbm>>
      tpu.wait_indirect_dma semaphore(%arg8 : memref<!tpu.dma_semaphore, #tpu.memory_space<semaphore_mem>>) src(%dma_wait3A_805 : memref<1000000x32xf32, #tpu.memory_space<hbm>>) dst(%dma_wait3A_795 : memref<200x32xf32, #tpu.memory_space<vmem>>)
      %dma_wait3A_806 = arith.constant 0 : i32
      %dma_wait3A_807 = arith.constant 4 : i32
      %dma_wait3A_808 = arith.constant 0 : i32
      %dma_wait3A_809 = arith.constant 4 : i32
      %dma_wait3A_810 = arith.constant 0 : i32
      %dma_wait3A_811 = arith.constant 0 : i32
      %dma_wait3A_812 = arith.constant 0 : i32
      %dma_wait3A_813 = tpu.memref_slice %arg6[%dma_wait3A_808, %dma_wait3A_810, %dma_wait3A_811, %dma_wait3A_812] : memref<2x8x200x32xf32, #tpu.memory_space<vmem>> -> memref<1x8x200x32xf32, #tpu.memory_space<vmem>>
      %dma_wait3A_814 = tpu.memref_squeeze %dma_wait3A_813 : memref<1x8x200x32xf32, #tpu.memory_space<vmem>> -> memref<8x200x32xf32, #tpu.memory_space<vmem>>
      %dma_wait3A_815 = arith.constant 0 : i32
      %dma_wait3A_816 = arith.constant 0 : i32
      %dma_wait3A_817 = tpu.memref_slice %dma_wait3A_814[%dma_wait3A_809, %dma_wait3A_815, %dma_wait3A_816] : memref<8x200x32xf32, #tpu.memory_space<vmem>> -> memref<1x200x32xf32, #tpu.memory_space<vmem>>
      %dma_wait3A_818 = tpu.memref_squeeze %dma_wait3A_817 : memref<1x200x32xf32, #tpu.memory_space<vmem>> -> memref<200x32xf32, #tpu.memory_space<vmem>>
      %dma_wait3A_819 = arith.constant 0 : i32
      %dma_wait3A_820 = arith.constant 0 : i32
      %dma_wait3A_821 = tpu.memref_slice %arg5[%dma_wait3A_806, %dma_wait3A_819, %dma_wait3A_820] : memref<2x8x200xi32, #tpu.memory_space<vmem>> -> memref<1x8x200xi32, #tpu.memory_space<vmem>>
      %dma_wait3A_822 = tpu.memref_squeeze %dma_wait3A_821 : memref<1x8x200xi32, #tpu.memory_space<vmem>> -> memref<8x200xi32, #tpu.memory_space<vmem>>
      %dma_wait3A_823 = arith.constant 0 : i32
      %dma_wait3A_824 = tpu.memref_slice %dma_wait3A_822[%dma_wait3A_807, %dma_wait3A_823] : memref<8x200xi32, #tpu.memory_space<vmem>> -> memref<1x200xi32, #tpu.memory_space<vmem>>
      %dma_wait3A_825 = tpu.memref_squeeze %dma_wait3A_824 : memref<1x200xi32, #tpu.memory_space<vmem>> -> memref<200xi32, #tpu.memory_space<vmem>>
      %dma_wait3A_826 = arith.constant 0 : i32
      %dma_wait3A_827 = arith.constant 0 : i32
      %dma_wait3A_828 = tpu.memref_slice %arg3[%dma_wait3A_826, %dma_wait3A_827] : memref<1000000x32xf32, #tpu.memory_space<hbm>> -> memref<1000000x32xf32, #tpu.memory_space<hbm>>
      tpu.wait_indirect_dma semaphore(%arg8 : memref<!tpu.dma_semaphore, #tpu.memory_space<semaphore_mem>>) src(%dma_wait3A_828 : memref<1000000x32xf32, #tpu.memory_space<hbm>>) dst(%dma_wait3A_818 : memref<200x32xf32, #tpu.memory_space<vmem>>)
      %dma_wait3A_829 = arith.constant 0 : i32
      %dma_wait3A_830 = arith.constant 5 : i32
      %dma_wait3A_831 = arith.constant 0 : i32
      %dma_wait3A_832 = arith.constant 5 : i32
      %dma_wait3A_833 = arith.constant 0 : i32
      %dma_wait3A_834 = arith.constant 0 : i32
      %dma_wait3A_835 = arith.constant 0 : i32
      %dma_wait3A_836 = tpu.memref_slice %arg6[%dma_wait3A_831, %dma_wait3A_833, %dma_wait3A_834, %dma_wait3A_835] : memref<2x8x200x32xf32, #tpu.memory_space<vmem>> -> memref<1x8x200x32xf32, #tpu.memory_space<vmem>>
      %dma_wait3A_837 = tpu.memref_squeeze %dma_wait3A_836 : memref<1x8x200x32xf32, #tpu.memory_space<vmem>> -> memref<8x200x32xf32, #tpu.memory_space<vmem>>
      %dma_wait3A_838 = arith.constant 0 : i32
      %dma_wait3A_839 = arith.constant 0 : i32
      %dma_wait3A_840 = tpu.memref_slice %dma_wait3A_837[%dma_wait3A_832, %dma_wait3A_838, %dma_wait3A_839] : memref<8x200x32xf32, #tpu.memory_space<vmem>> -> memref<1x200x32xf32, #tpu.memory_space<vmem>>
      %dma_wait3A_841 = tpu.memref_squeeze %dma_wait3A_840 : memref<1x200x32xf32, #tpu.memory_space<vmem>> -> memref<200x32xf32, #tpu.memory_space<vmem>>
      %dma_wait3A_842 = arith.constant 0 : i32
      %dma_wait3A_843 = arith.constant 0 : i32
      %dma_wait3A_844 = tpu.memref_slice %arg5[%dma_wait3A_829, %dma_wait3A_842, %dma_wait3A_843] : memref<2x8x200xi32, #tpu.memory_space<vmem>> -> memref<1x8x200xi32, #tpu.memory_space<vmem>>
      %dma_wait3A_845 = tpu.memref_squeeze %dma_wait3A_844 : memref<1x8x200xi32, #tpu.memory_space<vmem>> -> memref<8x200xi32, #tpu.memory_space<vmem>>
      %dma_wait3A_846 = arith.constant 0 : i32
      %dma_wait3A_847 = tpu.memref_slice %dma_wait3A_845[%dma_wait3A_830, %dma_wait3A_846] : memref<8x200xi32, #tpu.memory_space<vmem>> -> memref<1x200xi32, #tpu.memory_space<vmem>>
      %dma_wait3A_848 = tpu.memref_squeeze %dma_wait3A_847 : memref<1x200xi32, #tpu.memory_space<vmem>> -> memref<200xi32, #tpu.memory_space<vmem>>
      %dma_wait3A_849 = arith.constant 0 : i32
      %dma_wait3A_850 = arith.constant 0 : i32
      %dma_wait3A_851 = tpu.memref_slice %arg3[%dma_wait3A_849, %dma_wait3A_850] : memref<1000000x32xf32, #tpu.memory_space<hbm>> -> memref<1000000x32xf32, #tpu.memory_space<hbm>>
      tpu.wait_indirect_dma semaphore(%arg8 : memref<!tpu.dma_semaphore, #tpu.memory_space<semaphore_mem>>) src(%dma_wait3A_851 : memref<1000000x32xf32, #tpu.memory_space<hbm>>) dst(%dma_wait3A_841 : memref<200x32xf32, #tpu.memory_space<vmem>>)
      %dma_wait3A_852 = arith.constant 0 : i32
      %dma_wait3A_853 = arith.constant 6 : i32
      %dma_wait3A_854 = arith.constant 0 : i32
      %dma_wait3A_855 = arith.constant 6 : i32
      %dma_wait3A_856 = arith.constant 0 : i32
      %dma_wait3A_857 = arith.constant 0 : i32
      %dma_wait3A_858 = arith.constant 0 : i32
      %dma_wait3A_859 = tpu.memref_slice %arg6[%dma_wait3A_854, %dma_wait3A_856, %dma_wait3A_857, %dma_wait3A_858] : memref<2x8x200x32xf32, #tpu.memory_space<vmem>> -> memref<1x8x200x32xf32, #tpu.memory_space<vmem>>
      %dma_wait3A_860 = tpu.memref_squeeze %dma_wait3A_859 : memref<1x8x200x32xf32, #tpu.memory_space<vmem>> -> memref<8x200x32xf32, #tpu.memory_space<vmem>>
      %dma_wait3A_861 = arith.constant 0 : i32
      %dma_wait3A_862 = arith.constant 0 : i32
      %dma_wait3A_863 = tpu.memref_slice %dma_wait3A_860[%dma_wait3A_855, %dma_wait3A_861, %dma_wait3A_862] : memref<8x200x32xf32, #tpu.memory_space<vmem>> -> memref<1x200x32xf32, #tpu.memory_space<vmem>>
      %dma_wait3A_864 = tpu.memref_squeeze %dma_wait3A_863 : memref<1x200x32xf32, #tpu.memory_space<vmem>> -> memref<200x32xf32, #tpu.memory_space<vmem>>
      %dma_wait3A_865 = arith.constant 0 : i32
      %dma_wait3A_866 = arith.constant 0 : i32
      %dma_wait3A_867 = tpu.memref_slice %arg5[%dma_wait3A_852, %dma_wait3A_865, %dma_wait3A_866] : memref<2x8x200xi32, #tpu.memory_space<vmem>> -> memref<1x8x200xi32, #tpu.memory_space<vmem>>
      %dma_wait3A_868 = tpu.memref_squeeze %dma_wait3A_867 : memref<1x8x200xi32, #tpu.memory_space<vmem>> -> memref<8x200xi32, #tpu.memory_space<vmem>>
      %dma_wait3A_869 = arith.constant 0 : i32
      %dma_wait3A_870 = tpu.memref_slice %dma_wait3A_868[%dma_wait3A_853, %dma_wait3A_869] : memref<8x200xi32, #tpu.memory_space<vmem>> -> memref<1x200xi32, #tpu.memory_space<vmem>>
      %dma_wait3A_871 = tpu.memref_squeeze %dma_wait3A_870 : memref<1x200xi32, #tpu.memory_space<vmem>> -> memref<200xi32, #tpu.memory_space<vmem>>
      %dma_wait3A_872 = arith.constant 0 : i32
      %dma_wait3A_873 = arith.constant 0 : i32
      %dma_wait3A_874 = tpu.memref_slice %arg3[%dma_wait3A_872, %dma_wait3A_873] : memref<1000000x32xf32, #tpu.memory_space<hbm>> -> memref<1000000x32xf32, #tpu.memory_space<hbm>>
      tpu.wait_indirect_dma semaphore(%arg8 : memref<!tpu.dma_semaphore, #tpu.memory_space<semaphore_mem>>) src(%dma_wait3A_874 : memref<1000000x32xf32, #tpu.memory_space<hbm>>) dst(%dma_wait3A_864 : memref<200x32xf32, #tpu.memory_space<vmem>>)
      %dma_wait3A_875 = arith.constant 0 : i32
      %dma_wait3A_876 = arith.constant 7 : i32
      %dma_wait3A_877 = arith.constant 0 : i32
      %dma_wait3A_878 = arith.constant 7 : i32
      %dma_wait3A_879 = arith.constant 0 : i32
      %dma_wait3A_880 = arith.constant 0 : i32
      %dma_wait3A_881 = arith.constant 0 : i32
      %dma_wait3A_882 = tpu.memref_slice %arg6[%dma_wait3A_877, %dma_wait3A_879, %dma_wait3A_880, %dma_wait3A_881] : memref<2x8x200x32xf32, #tpu.memory_space<vmem>> -> memref<1x8x200x32xf32, #tpu.memory_space<vmem>>
      %dma_wait3A_883 = tpu.memref_squeeze %dma_wait3A_882 : memref<1x8x200x32xf32, #tpu.memory_space<vmem>> -> memref<8x200x32xf32, #tpu.memory_space<vmem>>
      %dma_wait3A_884 = arith.constant 0 : i32
      %dma_wait3A_885 = arith.constant 0 : i32
      %dma_wait3A_886 = tpu.memref_slice %dma_wait3A_883[%dma_wait3A_878, %dma_wait3A_884, %dma_wait3A_885] : memref<8x200x32xf32, #tpu.memory_space<vmem>> -> memref<1x200x32xf32, #tpu.memory_space<vmem>>
      %dma_wait3A_887 = tpu.memref_squeeze %dma_wait3A_886 : memref<1x200x32xf32, #tpu.memory_space<vmem>> -> memref<200x32xf32, #tpu.memory_space<vmem>>
      %dma_wait3A_888 = arith.constant 0 : i32
      %dma_wait3A_889 = arith.constant 0 : i32
      %dma_wait3A_890 = tpu.memref_slice %arg5[%dma_wait3A_875, %dma_wait3A_888, %dma_wait3A_889] : memref<2x8x200xi32, #tpu.memory_space<vmem>> -> memref<1x8x200xi32, #tpu.memory_space<vmem>>
      %dma_wait3A_891 = tpu.memref_squeeze %dma_wait3A_890 : memref<1x8x200xi32, #tpu.memory_space<vmem>> -> memref<8x200xi32, #tpu.memory_space<vmem>>
      %dma_wait3A_892 = arith.constant 0 : i32
      %dma_wait3A_893 = tpu.memref_slice %dma_wait3A_891[%dma_wait3A_876, %dma_wait3A_892] : memref<8x200xi32, #tpu.memory_space<vmem>> -> memref<1x200xi32, #tpu.memory_space<vmem>>
      %dma_wait3A_894 = tpu.memref_squeeze %dma_wait3A_893 : memref<1x200xi32, #tpu.memory_space<vmem>> -> memref<200xi32, #tpu.memory_space<vmem>>
      %dma_wait3A_895 = arith.constant 0 : i32
      %dma_wait3A_896 = arith.constant 0 : i32
      %dma_wait3A_897 = tpu.memref_slice %arg3[%dma_wait3A_895, %dma_wait3A_896] : memref<1000000x32xf32, #tpu.memory_space<hbm>> -> memref<1000000x32xf32, #tpu.memory_space<hbm>>
      tpu.wait_indirect_dma semaphore(%arg8 : memref<!tpu.dma_semaphore, #tpu.memory_space<semaphore_mem>>) src(%dma_wait3A_897 : memref<1000000x32xf32, #tpu.memory_space<hbm>>) dst(%dma_wait3A_887 : memref<200x32xf32, #tpu.memory_space<vmem>>)
      %dma_start3A_898 = arith.constant 0 : i32
      %dma_start3A_899 = arith.constant 0 : i32
      %dma_start3A_900 = arith.constant 0 : i32
      %dma_start3A_901 = arith.constant 0 : i32
      %dma_start3A_902 = tpu.memref_slice %arg6[%dma_start3A_898, %dma_start3A_899, %dma_start3A_900, %dma_start3A_901] : memref<2x8x200x32xf32, #tpu.memory_space<vmem>> -> memref<1x8x200x32xf32, #tpu.memory_space<vmem>>
      %dma_start3A_903 = tpu.memref_squeeze %dma_start3A_902 : memref<1x8x200x32xf32, #tpu.memory_space<vmem>> -> memref<8x200x32xf32, #tpu.memory_space<vmem>>
      %dma_start3A_904 = arith.constant 0 : i32
      %dma_start3A_905 = arith.constant 0 : i32
      %dma_start3A_906 = tpu.memref_slice %arg4[%sub3A_713, %dma_start3A_904, %dma_start3A_905] : memref<16384x200x32xf32, #tpu.memory_space<hbm>> -> memref<8x200x32xf32, #tpu.memory_space<hbm>>
      %dma_start3A_907 = arith.constant 0 : i32
      %dma_start3A_908 = arith.constant 0 : i32
      %dma_start3A_909 = tpu.memref_slice %arg4[%sub3A_713, %dma_start3A_907, %dma_start3A_908] : memref<16384x200x32xf32, #tpu.memory_space<hbm>> -> memref<8x200x32xf32, #tpu.memory_space<hbm>>
      %dma_start3A_910 = arith.constant 0 : i32
      %dma_start3A_911 = arith.constant 0 : i32
      %dma_start3A_912 = arith.constant 0 : i32
      %dma_start3A_913 = tpu.memref_slice %arg6[%dma_start3A_898, %dma_start3A_910, %dma_start3A_911, %dma_start3A_912] : memref<2x8x200x32xf32, #tpu.memory_space<vmem>> -> memref<1x8x200x32xf32, #tpu.memory_space<vmem>>
      %dma_start3A_914 = tpu.memref_squeeze %dma_start3A_913 : memref<1x8x200x32xf32, #tpu.memory_space<vmem>> -> memref<8x200x32xf32, #tpu.memory_space<vmem>>
      tpu.enqueue_dma source(%dma_start3A_914 : memref<8x200x32xf32, #tpu.memory_space<vmem>>) target(%dma_start3A_909 : memref<8x200x32xf32, #tpu.memory_space<hbm>>) target_semaphore(%arg10 : memref<!tpu.dma_semaphore, #tpu.memory_space<semaphore_mem>>)
      %add3A_915 = arith.constant 1 : i32
      %add3A_916 = arith.addi %add3A_507, %add3A_915 : i32
      %min3A_917 = arith.constant 63 : i32
      %min3A_918 = arith.minsi %add3A_916, %min3A_917 : i32
      %mul3A_919 = arith.constant 8 : i32
      %mul3A_920 = arith.muli %min3A_918, %mul3A_919 : i32
      %add3A_921 = arith.addi %mul3A_2, %mul3A_920 : i32
      %dma_start3A_922 = arith.constant 0 : i32
      %dma_start3A_923 = arith.constant 0 : i32
      %dma_start3A_924 = arith.constant 0 : i32
      %dma_start3A_925 = tpu.memref_slice %arg5[%dma_start3A_922, %dma_start3A_923, %dma_start3A_924] : memref<2x8x200xi32, #tpu.memory_space<vmem>> -> memref<1x8x200xi32, #tpu.memory_space<vmem>>
      %dma_start3A_926 = tpu.memref_squeeze %dma_start3A_925 : memref<1x8x200xi32, #tpu.memory_space<vmem>> -> memref<8x200xi32, #tpu.memory_space<vmem>>
      %dma_start3A_927 = arith.constant 0 : i32
      %dma_start3A_928 = tpu.memref_slice %arg2[%add3A_921, %dma_start3A_927] : memref<16384x200xi32, #tpu.memory_space<hbm>> -> memref<8x200xi32, #tpu.memory_space<hbm>>
      %dma_start3A_929 = arith.constant 0 : i32
      %dma_start3A_930 = arith.constant 0 : i32
      %dma_start3A_931 = tpu.memref_slice %arg5[%dma_start3A_922, %dma_start3A_929, %dma_start3A_930] : memref<2x8x200xi32, #tpu.memory_space<vmem>> -> memref<1x8x200xi32, #tpu.memory_space<vmem>>
      %dma_start3A_932 = tpu.memref_squeeze %dma_start3A_931 : memref<1x8x200xi32, #tpu.memory_space<vmem>> -> memref<8x200xi32, #tpu.memory_space<vmem>>
      %dma_start3A_933 = arith.constant 0 : i32
      %dma_start3A_934 = tpu.memref_slice %arg2[%add3A_921, %dma_start3A_933] : memref<16384x200xi32, #tpu.memory_space<hbm>> -> memref<8x200xi32, #tpu.memory_space<hbm>>
      tpu.enqueue_dma source(%dma_start3A_934 : memref<8x200xi32, #tpu.memory_space<hbm>>) target(%dma_start3A_932 : memref<8x200xi32, #tpu.memory_space<vmem>>) target_semaphore(%arg7 : memref<!tpu.dma_semaphore, #tpu.memory_space<semaphore_mem>>)
    }
    %scan3A_19 = arith.constant 32 : i32
    %add3A_20 = arith.constant 504 : i32
    %add3A_21 = arith.addi %mul3A_2, %add3A_20 : i32
    %dma_wait3A = arith.constant 1 : i32
    %dma_wait3A_22 = arith.constant 0 : i32
    %dma_wait3A_23 = arith.constant 1 : i32
    %dma_wait3A_24 = arith.constant 0 : i32
    %dma_wait3A_25 = arith.constant 0 : i32
    %dma_wait3A_26 = arith.constant 0 : i32
    %dma_wait3A_27 = arith.constant 0 : i32
    %dma_wait3A_28 = tpu.memref_slice %arg6[%dma_wait3A_23, %dma_wait3A_25, %dma_wait3A_26, %dma_wait3A_27] : memref<2x8x200x32xf32, #tpu.memory_space<vmem>> -> memref<1x8x200x32xf32, #tpu.memory_space<vmem>>
    %dma_wait3A_29 = tpu.memref_squeeze %dma_wait3A_28 : memref<1x8x200x32xf32, #tpu.memory_space<vmem>> -> memref<8x200x32xf32, #tpu.memory_space<vmem>>
    %dma_wait3A_30 = arith.constant 0 : i32
    %dma_wait3A_31 = arith.constant 0 : i32
    %dma_wait3A_32 = tpu.memref_slice %dma_wait3A_29[%dma_wait3A_24, %dma_wait3A_30, %dma_wait3A_31] : memref<8x200x32xf32, #tpu.memory_space<vmem>> -> memref<1x200x32xf32, #tpu.memory_space<vmem>>
    %dma_wait3A_33 = tpu.memref_squeeze %dma_wait3A_32 : memref<1x200x32xf32, #tpu.memory_space<vmem>> -> memref<200x32xf32, #tpu.memory_space<vmem>>
    %dma_wait3A_34 = arith.constant 0 : i32
    %dma_wait3A_35 = arith.constant 0 : i32
    %dma_wait3A_36 = tpu.memref_slice %arg5[%dma_wait3A, %dma_wait3A_34, %dma_wait3A_35] : memref<2x8x200xi32, #tpu.memory_space<vmem>> -> memref<1x8x200xi32, #tpu.memory_space<vmem>>
    %dma_wait3A_37 = tpu.memref_squeeze %dma_wait3A_36 : memref<1x8x200xi32, #tpu.memory_space<vmem>> -> memref<8x200xi32, #tpu.memory_space<vmem>>
    %dma_wait3A_38 = arith.constant 0 : i32
    %dma_wait3A_39 = tpu.memref_slice %dma_wait3A_37[%dma_wait3A_22, %dma_wait3A_38] : memref<8x200xi32, #tpu.memory_space<vmem>> -> memref<1x200xi32, #tpu.memory_space<vmem>>
    %dma_wait3A_40 = tpu.memref_squeeze %dma_wait3A_39 : memref<1x200xi32, #tpu.memory_space<vmem>> -> memref<200xi32, #tpu.memory_space<vmem>>
    %dma_wait3A_41 = arith.constant 0 : i32
    %dma_wait3A_42 = arith.constant 0 : i32
    %dma_wait3A_43 = tpu.memref_slice %arg3[%dma_wait3A_41, %dma_wait3A_42] : memref<1000000x32xf32, #tpu.memory_space<hbm>> -> memref<1000000x32xf32, #tpu.memory_space<hbm>>
    tpu.wait_indirect_dma semaphore(%arg9 : memref<!tpu.dma_semaphore, #tpu.memory_space<semaphore_mem>>) src(%dma_wait3A_43 : memref<1000000x32xf32, #tpu.memory_space<hbm>>) dst(%dma_wait3A_33 : memref<200x32xf32, #tpu.memory_space<vmem>>)
    %dma_wait3A_44 = arith.constant 1 : i32
    %dma_wait3A_45 = arith.constant 1 : i32
    %dma_wait3A_46 = arith.constant 1 : i32
    %dma_wait3A_47 = arith.constant 1 : i32
    %dma_wait3A_48 = arith.constant 0 : i32
    %dma_wait3A_49 = arith.constant 0 : i32
    %dma_wait3A_50 = arith.constant 0 : i32
    %dma_wait3A_51 = tpu.memref_slice %arg6[%dma_wait3A_46, %dma_wait3A_48, %dma_wait3A_49, %dma_wait3A_50] : memref<2x8x200x32xf32, #tpu.memory_space<vmem>> -> memref<1x8x200x32xf32, #tpu.memory_space<vmem>>
    %dma_wait3A_52 = tpu.memref_squeeze %dma_wait3A_51 : memref<1x8x200x32xf32, #tpu.memory_space<vmem>> -> memref<8x200x32xf32, #tpu.memory_space<vmem>>
    %dma_wait3A_53 = arith.constant 0 : i32
    %dma_wait3A_54 = arith.constant 0 : i32
    %dma_wait3A_55 = tpu.memref_slice %dma_wait3A_52[%dma_wait3A_47, %dma_wait3A_53, %dma_wait3A_54] : memref<8x200x32xf32, #tpu.memory_space<vmem>> -> memref<1x200x32xf32, #tpu.memory_space<vmem>>
    %dma_wait3A_56 = tpu.memref_squeeze %dma_wait3A_55 : memref<1x200x32xf32, #tpu.memory_space<vmem>> -> memref<200x32xf32, #tpu.memory_space<vmem>>
    %dma_wait3A_57 = arith.constant 0 : i32
    %dma_wait3A_58 = arith.constant 0 : i32
    %dma_wait3A_59 = tpu.memref_slice %arg5[%dma_wait3A_44, %dma_wait3A_57, %dma_wait3A_58] : memref<2x8x200xi32, #tpu.memory_space<vmem>> -> memref<1x8x200xi32, #tpu.memory_space<vmem>>
    %dma_wait3A_60 = tpu.memref_squeeze %dma_wait3A_59 : memref<1x8x200xi32, #tpu.memory_space<vmem>> -> memref<8x200xi32, #tpu.memory_space<vmem>>
    %dma_wait3A_61 = arith.constant 0 : i32
    %dma_wait3A_62 = tpu.memref_slice %dma_wait3A_60[%dma_wait3A_45, %dma_wait3A_61] : memref<8x200xi32, #tpu.memory_space<vmem>> -> memref<1x200xi32, #tpu.memory_space<vmem>>
    %dma_wait3A_63 = tpu.memref_squeeze %dma_wait3A_62 : memref<1x200xi32, #tpu.memory_space<vmem>> -> memref<200xi32, #tpu.memory_space<vmem>>
    %dma_wait3A_64 = arith.constant 0 : i32
    %dma_wait3A_65 = arith.constant 0 : i32
    %dma_wait3A_66 = tpu.memref_slice %arg3[%dma_wait3A_64, %dma_wait3A_65] : memref<1000000x32xf32, #tpu.memory_space<hbm>> -> memref<1000000x32xf32, #tpu.memory_space<hbm>>
    tpu.wait_indirect_dma semaphore(%arg9 : memref<!tpu.dma_semaphore, #tpu.memory_space<semaphore_mem>>) src(%dma_wait3A_66 : memref<1000000x32xf32, #tpu.memory_space<hbm>>) dst(%dma_wait3A_56 : memref<200x32xf32, #tpu.memory_space<vmem>>)
    %dma_wait3A_67 = arith.constant 1 : i32
    %dma_wait3A_68 = arith.constant 2 : i32
    %dma_wait3A_69 = arith.constant 1 : i32
    %dma_wait3A_70 = arith.constant 2 : i32
    %dma_wait3A_71 = arith.constant 0 : i32
    %dma_wait3A_72 = arith.constant 0 : i32
    %dma_wait3A_73 = arith.constant 0 : i32
    %dma_wait3A_74 = tpu.memref_slice %arg6[%dma_wait3A_69, %dma_wait3A_71, %dma_wait3A_72, %dma_wait3A_73] : memref<2x8x200x32xf32, #tpu.memory_space<vmem>> -> memref<1x8x200x32xf32, #tpu.memory_space<vmem>>
    %dma_wait3A_75 = tpu.memref_squeeze %dma_wait3A_74 : memref<1x8x200x32xf32, #tpu.memory_space<vmem>> -> memref<8x200x32xf32, #tpu.memory_space<vmem>>
    %dma_wait3A_76 = arith.constant 0 : i32
    %dma_wait3A_77 = arith.constant 0 : i32
    %dma_wait3A_78 = tpu.memref_slice %dma_wait3A_75[%dma_wait3A_70, %dma_wait3A_76, %dma_wait3A_77] : memref<8x200x32xf32, #tpu.memory_space<vmem>> -> memref<1x200x32xf32, #tpu.memory_space<vmem>>
    %dma_wait3A_79 = tpu.memref_squeeze %dma_wait3A_78 : memref<1x200x32xf32, #tpu.memory_space<vmem>> -> memref<200x32xf32, #tpu.memory_space<vmem>>
    %dma_wait3A_80 = arith.constant 0 : i32
    %dma_wait3A_81 = arith.constant 0 : i32
    %dma_wait3A_82 = tpu.memref_slice %arg5[%dma_wait3A_67, %dma_wait3A_80, %dma_wait3A_81] : memref<2x8x200xi32, #tpu.memory_space<vmem>> -> memref<1x8x200xi32, #tpu.memory_space<vmem>>
    %dma_wait3A_83 = tpu.memref_squeeze %dma_wait3A_82 : memref<1x8x200xi32, #tpu.memory_space<vmem>> -> memref<8x200xi32, #tpu.memory_space<vmem>>
    %dma_wait3A_84 = arith.constant 0 : i32
    %dma_wait3A_85 = tpu.memref_slice %dma_wait3A_83[%dma_wait3A_68, %dma_wait3A_84] : memref<8x200xi32, #tpu.memory_space<vmem>> -> memref<1x200xi32, #tpu.memory_space<vmem>>
    %dma_wait3A_86 = tpu.memref_squeeze %dma_wait3A_85 : memref<1x200xi32, #tpu.memory_space<vmem>> -> memref<200xi32, #tpu.memory_space<vmem>>
    %dma_wait3A_87 = arith.constant 0 : i32
    %dma_wait3A_88 = arith.constant 0 : i32
    %dma_wait3A_89 = tpu.memref_slice %arg3[%dma_wait3A_87, %dma_wait3A_88] : memref<1000000x32xf32, #tpu.memory_space<hbm>> -> memref<1000000x32xf32, #tpu.memory_space<hbm>>
    tpu.wait_indirect_dma semaphore(%arg9 : memref<!tpu.dma_semaphore, #tpu.memory_space<semaphore_mem>>) src(%dma_wait3A_89 : memref<1000000x32xf32, #tpu.memory_space<hbm>>) dst(%dma_wait3A_79 : memref<200x32xf32, #tpu.memory_space<vmem>>)
    %dma_wait3A_90 = arith.constant 1 : i32
    %dma_wait3A_91 = arith.constant 3 : i32
    %dma_wait3A_92 = arith.constant 1 : i32
    %dma_wait3A_93 = arith.constant 3 : i32
    %dma_wait3A_94 = arith.constant 0 : i32
    %dma_wait3A_95 = arith.constant 0 : i32
    %dma_wait3A_96 = arith.constant 0 : i32
    %dma_wait3A_97 = tpu.memref_slice %arg6[%dma_wait3A_92, %dma_wait3A_94, %dma_wait3A_95, %dma_wait3A_96] : memref<2x8x200x32xf32, #tpu.memory_space<vmem>> -> memref<1x8x200x32xf32, #tpu.memory_space<vmem>>
    %dma_wait3A_98 = tpu.memref_squeeze %dma_wait3A_97 : memref<1x8x200x32xf32, #tpu.memory_space<vmem>> -> memref<8x200x32xf32, #tpu.memory_space<vmem>>
    %dma_wait3A_99 = arith.constant 0 : i32
    %dma_wait3A_100 = arith.constant 0 : i32
    %dma_wait3A_101 = tpu.memref_slice %dma_wait3A_98[%dma_wait3A_93, %dma_wait3A_99, %dma_wait3A_100] : memref<8x200x32xf32, #tpu.memory_space<vmem>> -> memref<1x200x32xf32, #tpu.memory_space<vmem>>
    %dma_wait3A_102 = tpu.memref_squeeze %dma_wait3A_101 : memref<1x200x32xf32, #tpu.memory_space<vmem>> -> memref<200x32xf32, #tpu.memory_space<vmem>>
    %dma_wait3A_103 = arith.constant 0 : i32
    %dma_wait3A_104 = arith.constant 0 : i32
    %dma_wait3A_105 = tpu.memref_slice %arg5[%dma_wait3A_90, %dma_wait3A_103, %dma_wait3A_104] : memref<2x8x200xi32, #tpu.memory_space<vmem>> -> memref<1x8x200xi32, #tpu.memory_space<vmem>>
    %dma_wait3A_106 = tpu.memref_squeeze %dma_wait3A_105 : memref<1x8x200xi32, #tpu.memory_space<vmem>> -> memref<8x200xi32, #tpu.memory_space<vmem>>
    %dma_wait3A_107 = arith.constant 0 : i32
    %dma_wait3A_108 = tpu.memref_slice %dma_wait3A_106[%dma_wait3A_91, %dma_wait3A_107] : memref<8x200xi32, #tpu.memory_space<vmem>> -> memref<1x200xi32, #tpu.memory_space<vmem>>
    %dma_wait3A_109 = tpu.memref_squeeze %dma_wait3A_108 : memref<1x200xi32, #tpu.memory_space<vmem>> -> memref<200xi32, #tpu.memory_space<vmem>>
    %dma_wait3A_110 = arith.constant 0 : i32
    %dma_wait3A_111 = arith.constant 0 : i32
    %dma_wait3A_112 = tpu.memref_slice %arg3[%dma_wait3A_110, %dma_wait3A_111] : memref<1000000x32xf32, #tpu.memory_space<hbm>> -> memref<1000000x32xf32, #tpu.memory_space<hbm>>
    tpu.wait_indirect_dma semaphore(%arg9 : memref<!tpu.dma_semaphore, #tpu.memory_space<semaphore_mem>>) src(%dma_wait3A_112 : memref<1000000x32xf32, #tpu.memory_space<hbm>>) dst(%dma_wait3A_102 : memref<200x32xf32, #tpu.memory_space<vmem>>)
    %dma_wait3A_113 = arith.constant 1 : i32
    %dma_wait3A_114 = arith.constant 4 : i32
    %dma_wait3A_115 = arith.constant 1 : i32
    %dma_wait3A_116 = arith.constant 4 : i32
    %dma_wait3A_117 = arith.constant 0 : i32
    %dma_wait3A_118 = arith.constant 0 : i32
    %dma_wait3A_119 = arith.constant 0 : i32
    %dma_wait3A_120 = tpu.memref_slice %arg6[%dma_wait3A_115, %dma_wait3A_117, %dma_wait3A_118, %dma_wait3A_119] : memref<2x8x200x32xf32, #tpu.memory_space<vmem>> -> memref<1x8x200x32xf32, #tpu.memory_space<vmem>>
    %dma_wait3A_121 = tpu.memref_squeeze %dma_wait3A_120 : memref<1x8x200x32xf32, #tpu.memory_space<vmem>> -> memref<8x200x32xf32, #tpu.memory_space<vmem>>
    %dma_wait3A_122 = arith.constant 0 : i32
    %dma_wait3A_123 = arith.constant 0 : i32
    %dma_wait3A_124 = tpu.memref_slice %dma_wait3A_121[%dma_wait3A_116, %dma_wait3A_122, %dma_wait3A_123] : memref<8x200x32xf32, #tpu.memory_space<vmem>> -> memref<1x200x32xf32, #tpu.memory_space<vmem>>
    %dma_wait3A_125 = tpu.memref_squeeze %dma_wait3A_124 : memref<1x200x32xf32, #tpu.memory_space<vmem>> -> memref<200x32xf32, #tpu.memory_space<vmem>>
    %dma_wait3A_126 = arith.constant 0 : i32
    %dma_wait3A_127 = arith.constant 0 : i32
    %dma_wait3A_128 = tpu.memref_slice %arg5[%dma_wait3A_113, %dma_wait3A_126, %dma_wait3A_127] : memref<2x8x200xi32, #tpu.memory_space<vmem>> -> memref<1x8x200xi32, #tpu.memory_space<vmem>>
    %dma_wait3A_129 = tpu.memref_squeeze %dma_wait3A_128 : memref<1x8x200xi32, #tpu.memory_space<vmem>> -> memref<8x200xi32, #tpu.memory_space<vmem>>
    %dma_wait3A_130 = arith.constant 0 : i32
    %dma_wait3A_131 = tpu.memref_slice %dma_wait3A_129[%dma_wait3A_114, %dma_wait3A_130] : memref<8x200xi32, #tpu.memory_space<vmem>> -> memref<1x200xi32, #tpu.memory_space<vmem>>
    %dma_wait3A_132 = tpu.memref_squeeze %dma_wait3A_131 : memref<1x200xi32, #tpu.memory_space<vmem>> -> memref<200xi32, #tpu.memory_space<vmem>>
    %dma_wait3A_133 = arith.constant 0 : i32
    %dma_wait3A_134 = arith.constant 0 : i32
    %dma_wait3A_135 = tpu.memref_slice %arg3[%dma_wait3A_133, %dma_wait3A_134] : memref<1000000x32xf32, #tpu.memory_space<hbm>> -> memref<1000000x32xf32, #tpu.memory_space<hbm>>
    tpu.wait_indirect_dma semaphore(%arg9 : memref<!tpu.dma_semaphore, #tpu.memory_space<semaphore_mem>>) src(%dma_wait3A_135 : memref<1000000x32xf32, #tpu.memory_space<hbm>>) dst(%dma_wait3A_125 : memref<200x32xf32, #tpu.memory_space<vmem>>)
    %dma_wait3A_136 = arith.constant 1 : i32
    %dma_wait3A_137 = arith.constant 5 : i32
    %dma_wait3A_138 = arith.constant 1 : i32
    %dma_wait3A_139 = arith.constant 5 : i32
    %dma_wait3A_140 = arith.constant 0 : i32
    %dma_wait3A_141 = arith.constant 0 : i32
    %dma_wait3A_142 = arith.constant 0 : i32
    %dma_wait3A_143 = tpu.memref_slice %arg6[%dma_wait3A_138, %dma_wait3A_140, %dma_wait3A_141, %dma_wait3A_142] : memref<2x8x200x32xf32, #tpu.memory_space<vmem>> -> memref<1x8x200x32xf32, #tpu.memory_space<vmem>>
    %dma_wait3A_144 = tpu.memref_squeeze %dma_wait3A_143 : memref<1x8x200x32xf32, #tpu.memory_space<vmem>> -> memref<8x200x32xf32, #tpu.memory_space<vmem>>
    %dma_wait3A_145 = arith.constant 0 : i32
    %dma_wait3A_146 = arith.constant 0 : i32
    %dma_wait3A_147 = tpu.memref_slice %dma_wait3A_144[%dma_wait3A_139, %dma_wait3A_145, %dma_wait3A_146] : memref<8x200x32xf32, #tpu.memory_space<vmem>> -> memref<1x200x32xf32, #tpu.memory_space<vmem>>
    %dma_wait3A_148 = tpu.memref_squeeze %dma_wait3A_147 : memref<1x200x32xf32, #tpu.memory_space<vmem>> -> memref<200x32xf32, #tpu.memory_space<vmem>>
    %dma_wait3A_149 = arith.constant 0 : i32
    %dma_wait3A_150 = arith.constant 0 : i32
    %dma_wait3A_151 = tpu.memref_slice %arg5[%dma_wait3A_136, %dma_wait3A_149, %dma_wait3A_150] : memref<2x8x200xi32, #tpu.memory_space<vmem>> -> memref<1x8x200xi32, #tpu.memory_space<vmem>>
    %dma_wait3A_152 = tpu.memref_squeeze %dma_wait3A_151 : memref<1x8x200xi32, #tpu.memory_space<vmem>> -> memref<8x200xi32, #tpu.memory_space<vmem>>
    %dma_wait3A_153 = arith.constant 0 : i32
    %dma_wait3A_154 = tpu.memref_slice %dma_wait3A_152[%dma_wait3A_137, %dma_wait3A_153] : memref<8x200xi32, #tpu.memory_space<vmem>> -> memref<1x200xi32, #tpu.memory_space<vmem>>
    %dma_wait3A_155 = tpu.memref_squeeze %dma_wait3A_154 : memref<1x200xi32, #tpu.memory_space<vmem>> -> memref<200xi32, #tpu.memory_space<vmem>>
    %dma_wait3A_156 = arith.constant 0 : i32
    %dma_wait3A_157 = arith.constant 0 : i32
    %dma_wait3A_158 = tpu.memref_slice %arg3[%dma_wait3A_156, %dma_wait3A_157] : memref<1000000x32xf32, #tpu.memory_space<hbm>> -> memref<1000000x32xf32, #tpu.memory_space<hbm>>
    tpu.wait_indirect_dma semaphore(%arg9 : memref<!tpu.dma_semaphore, #tpu.memory_space<semaphore_mem>>) src(%dma_wait3A_158 : memref<1000000x32xf32, #tpu.memory_space<hbm>>) dst(%dma_wait3A_148 : memref<200x32xf32, #tpu.memory_space<vmem>>)
    %dma_wait3A_159 = arith.constant 1 : i32
    %dma_wait3A_160 = arith.constant 6 : i32
    %dma_wait3A_161 = arith.constant 1 : i32
    %dma_wait3A_162 = arith.constant 6 : i32
    %dma_wait3A_163 = arith.constant 0 : i32
    %dma_wait3A_164 = arith.constant 0 : i32
    %dma_wait3A_165 = arith.constant 0 : i32
    %dma_wait3A_166 = tpu.memref_slice %arg6[%dma_wait3A_161, %dma_wait3A_163, %dma_wait3A_164, %dma_wait3A_165] : memref<2x8x200x32xf32, #tpu.memory_space<vmem>> -> memref<1x8x200x32xf32, #tpu.memory_space<vmem>>
    %dma_wait3A_167 = tpu.memref_squeeze %dma_wait3A_166 : memref<1x8x200x32xf32, #tpu.memory_space<vmem>> -> memref<8x200x32xf32, #tpu.memory_space<vmem>>
    %dma_wait3A_168 = arith.constant 0 : i32
    %dma_wait3A_169 = arith.constant 0 : i32
    %dma_wait3A_170 = tpu.memref_slice %dma_wait3A_167[%dma_wait3A_162, %dma_wait3A_168, %dma_wait3A_169] : memref<8x200x32xf32, #tpu.memory_space<vmem>> -> memref<1x200x32xf32, #tpu.memory_space<vmem>>
    %dma_wait3A_171 = tpu.memref_squeeze %dma_wait3A_170 : memref<1x200x32xf32, #tpu.memory_space<vmem>> -> memref<200x32xf32, #tpu.memory_space<vmem>>
    %dma_wait3A_172 = arith.constant 0 : i32
    %dma_wait3A_173 = arith.constant 0 : i32
    %dma_wait3A_174 = tpu.memref_slice %arg5[%dma_wait3A_159, %dma_wait3A_172, %dma_wait3A_173] : memref<2x8x200xi32, #tpu.memory_space<vmem>> -> memref<1x8x200xi32, #tpu.memory_space<vmem>>
    %dma_wait3A_175 = tpu.memref_squeeze %dma_wait3A_174 : memref<1x8x200xi32, #tpu.memory_space<vmem>> -> memref<8x200xi32, #tpu.memory_space<vmem>>
    %dma_wait3A_176 = arith.constant 0 : i32
    %dma_wait3A_177 = tpu.memref_slice %dma_wait3A_175[%dma_wait3A_160, %dma_wait3A_176] : memref<8x200xi32, #tpu.memory_space<vmem>> -> memref<1x200xi32, #tpu.memory_space<vmem>>
    %dma_wait3A_178 = tpu.memref_squeeze %dma_wait3A_177 : memref<1x200xi32, #tpu.memory_space<vmem>> -> memref<200xi32, #tpu.memory_space<vmem>>
    %dma_wait3A_179 = arith.constant 0 : i32
    %dma_wait3A_180 = arith.constant 0 : i32
    %dma_wait3A_181 = tpu.memref_slice %arg3[%dma_wait3A_179, %dma_wait3A_180] : memref<1000000x32xf32, #tpu.memory_space<hbm>> -> memref<1000000x32xf32, #tpu.memory_space<hbm>>
    tpu.wait_indirect_dma semaphore(%arg9 : memref<!tpu.dma_semaphore, #tpu.memory_space<semaphore_mem>>) src(%dma_wait3A_181 : memref<1000000x32xf32, #tpu.memory_space<hbm>>) dst(%dma_wait3A_171 : memref<200x32xf32, #tpu.memory_space<vmem>>)
    %dma_wait3A_182 = arith.constant 1 : i32
    %dma_wait3A_183 = arith.constant 7 : i32
    %dma_wait3A_184 = arith.constant 1 : i32
    %dma_wait3A_185 = arith.constant 7 : i32
    %dma_wait3A_186 = arith.constant 0 : i32
    %dma_wait3A_187 = arith.constant 0 : i32
    %dma_wait3A_188 = arith.constant 0 : i32
    %dma_wait3A_189 = tpu.memref_slice %arg6[%dma_wait3A_184, %dma_wait3A_186, %dma_wait3A_187, %dma_wait3A_188] : memref<2x8x200x32xf32, #tpu.memory_space<vmem>> -> memref<1x8x200x32xf32, #tpu.memory_space<vmem>>
    %dma_wait3A_190 = tpu.memref_squeeze %dma_wait3A_189 : memref<1x8x200x32xf32, #tpu.memory_space<vmem>> -> memref<8x200x32xf32, #tpu.memory_space<vmem>>
    %dma_wait3A_191 = arith.constant 0 : i32
    %dma_wait3A_192 = arith.constant 0 : i32
    %dma_wait3A_193 = tpu.memref_slice %dma_wait3A_190[%dma_wait3A_185, %dma_wait3A_191, %dma_wait3A_192] : memref<8x200x32xf32, #tpu.memory_space<vmem>> -> memref<1x200x32xf32, #tpu.memory_space<vmem>>
    %dma_wait3A_194 = tpu.memref_squeeze %dma_wait3A_193 : memref<1x200x32xf32, #tpu.memory_space<vmem>> -> memref<200x32xf32, #tpu.memory_space<vmem>>
    %dma_wait3A_195 = arith.constant 0 : i32
    %dma_wait3A_196 = arith.constant 0 : i32
    %dma_wait3A_197 = tpu.memref_slice %arg5[%dma_wait3A_182, %dma_wait3A_195, %dma_wait3A_196] : memref<2x8x200xi32, #tpu.memory_space<vmem>> -> memref<1x8x200xi32, #tpu.memory_space<vmem>>
    %dma_wait3A_198 = tpu.memref_squeeze %dma_wait3A_197 : memref<1x8x200xi32, #tpu.memory_space<vmem>> -> memref<8x200xi32, #tpu.memory_space<vmem>>
    %dma_wait3A_199 = arith.constant 0 : i32
    %dma_wait3A_200 = tpu.memref_slice %dma_wait3A_198[%dma_wait3A_183, %dma_wait3A_199] : memref<8x200xi32, #tpu.memory_space<vmem>> -> memref<1x200xi32, #tpu.memory_space<vmem>>
    %dma_wait3A_201 = tpu.memref_squeeze %dma_wait3A_200 : memref<1x200xi32, #tpu.memory_space<vmem>> -> memref<200xi32, #tpu.memory_space<vmem>>
    %dma_wait3A_202 = arith.constant 0 : i32
    %dma_wait3A_203 = arith.constant 0 : i32
    %dma_wait3A_204 = tpu.memref_slice %arg3[%dma_wait3A_202, %dma_wait3A_203] : memref<1000000x32xf32, #tpu.memory_space<hbm>> -> memref<1000000x32xf32, #tpu.memory_space<hbm>>
    tpu.wait_indirect_dma semaphore(%arg9 : memref<!tpu.dma_semaphore, #tpu.memory_space<semaphore_mem>>) src(%dma_wait3A_204 : memref<1000000x32xf32, #tpu.memory_space<hbm>>) dst(%dma_wait3A_194 : memref<200x32xf32, #tpu.memory_space<vmem>>)
    %dma_start3A_205 = arith.constant 1 : i32
    %dma_start3A_206 = arith.constant 0 : i32
    %dma_start3A_207 = arith.constant 0 : i32
    %dma_start3A_208 = arith.constant 0 : i32
    %dma_start3A_209 = tpu.memref_slice %arg6[%dma_start3A_205, %dma_start3A_206, %dma_start3A_207, %dma_start3A_208] : memref<2x8x200x32xf32, #tpu.memory_space<vmem>> -> memref<1x8x200x32xf32, #tpu.memory_space<vmem>>
    %dma_start3A_210 = tpu.memref_squeeze %dma_start3A_209 : memref<1x8x200x32xf32, #tpu.memory_space<vmem>> -> memref<8x200x32xf32, #tpu.memory_space<vmem>>
    %dma_start3A_211 = arith.constant 0 : i32
    %dma_start3A_212 = arith.constant 0 : i32
    %dma_start3A_213 = tpu.memref_slice %arg4[%add3A_21, %dma_start3A_211, %dma_start3A_212] : memref<16384x200x32xf32, #tpu.memory_space<hbm>> -> memref<8x200x32xf32, #tpu.memory_space<hbm>>
    %dma_start3A_214 = arith.constant 0 : i32
    %dma_start3A_215 = arith.constant 0 : i32
    %dma_start3A_216 = tpu.memref_slice %arg4[%add3A_21, %dma_start3A_214, %dma_start3A_215] : memref<16384x200x32xf32, #tpu.memory_space<hbm>> -> memref<8x200x32xf32, #tpu.memory_space<hbm>>
    %dma_start3A_217 = arith.constant 0 : i32
    %dma_start3A_218 = arith.constant 0 : i32
    %dma_start3A_219 = arith.constant 0 : i32
    %dma_start3A_220 = tpu.memref_slice %arg6[%dma_start3A_205, %dma_start3A_217, %dma_start3A_218, %dma_start3A_219] : memref<2x8x200x32xf32, #tpu.memory_space<vmem>> -> memref<1x8x200x32xf32, #tpu.memory_space<vmem>>
    %dma_start3A_221 = tpu.memref_squeeze %dma_start3A_220 : memref<1x8x200x32xf32, #tpu.memory_space<vmem>> -> memref<8x200x32xf32, #tpu.memory_space<vmem>>
    tpu.enqueue_dma source(%dma_start3A_221 : memref<8x200x32xf32, #tpu.memory_space<vmem>>) target(%dma_start3A_216 : memref<8x200x32xf32, #tpu.memory_space<hbm>>) target_semaphore(%arg11 : memref<!tpu.dma_semaphore, #tpu.memory_space<semaphore_mem>>)
    %dma_wait3A_222 = arith.constant 0 : i32
    %dma_wait3A_223 = arith.constant 0 : i32
    %dma_wait3A_224 = arith.constant 0 : i32
    %dma_wait3A_225 = tpu.memref_slice %arg5[%dma_wait3A_222, %dma_wait3A_223, %dma_wait3A_224] : memref<2x8x200xi32, #tpu.memory_space<vmem>> -> memref<1x8x200xi32, #tpu.memory_space<vmem>>
    %dma_wait3A_226 = tpu.memref_squeeze %dma_wait3A_225 : memref<1x8x200xi32, #tpu.memory_space<vmem>> -> memref<8x200xi32, #tpu.memory_space<vmem>>
    %dma_wait3A_227 = arith.constant 0 : i32
    %dma_wait3A_228 = tpu.memref_slice %arg2[%mul3A_2, %dma_wait3A_227] : memref<16384x200xi32, #tpu.memory_space<hbm>> -> memref<8x200xi32, #tpu.memory_space<hbm>>
    %dma_wait3A_229 = arith.constant 0 : i32
    %dma_wait3A_230 = arith.constant 0 : i32
    %dma_wait3A_231 = tpu.memref_slice %arg5[%dma_wait3A_222, %dma_wait3A_229, %dma_wait3A_230] : memref<2x8x200xi32, #tpu.memory_space<vmem>> -> memref<1x8x200xi32, #tpu.memory_space<vmem>>
    %dma_wait3A_232 = tpu.memref_squeeze %dma_wait3A_231 : memref<1x8x200xi32, #tpu.memory_space<vmem>> -> memref<8x200xi32, #tpu.memory_space<vmem>>
    %dma_wait3A_233 = arith.constant 0 : i32
    %dma_wait3A_234 = tpu.memref_slice %arg2[%mul3A_2, %dma_wait3A_233] : memref<16384x200xi32, #tpu.memory_space<hbm>> -> memref<8x200xi32, #tpu.memory_space<hbm>>
    tpu.wait_dma2 semaphore(%arg7 : memref<!tpu.dma_semaphore, #tpu.memory_space<semaphore_mem>>) src(%dma_wait3A_234 : memref<8x200xi32, #tpu.memory_space<hbm>>) dst(%dma_wait3A_232 : memref<8x200xi32, #tpu.memory_space<vmem>>)
    %add3A_235 = arith.constant 496 : i32
    %add3A_236 = arith.addi %mul3A_2, %add3A_235 : i32
    %dma_wait3A_237 = arith.constant 0 : i32
    %dma_wait3A_238 = arith.constant 0 : i32
    %dma_wait3A_239 = arith.constant 0 : i32
    %dma_wait3A_240 = arith.constant 0 : i32
    %dma_wait3A_241 = tpu.memref_slice %arg6[%dma_wait3A_237, %dma_wait3A_238, %dma_wait3A_239, %dma_wait3A_240] : memref<2x8x200x32xf32, #tpu.memory_space<vmem>> -> memref<1x8x200x32xf32, #tpu.memory_space<vmem>>
    %dma_wait3A_242 = tpu.memref_squeeze %dma_wait3A_241 : memref<1x8x200x32xf32, #tpu.memory_space<vmem>> -> memref<8x200x32xf32, #tpu.memory_space<vmem>>
    %dma_wait3A_243 = arith.constant 0 : i32
    %dma_wait3A_244 = arith.constant 0 : i32
    %dma_wait3A_245 = tpu.memref_slice %arg4[%add3A_236, %dma_wait3A_243, %dma_wait3A_244] : memref<16384x200x32xf32, #tpu.memory_space<hbm>> -> memref<8x200x32xf32, #tpu.memory_space<hbm>>
    %dma_wait3A_246 = arith.constant 0 : i32
    %dma_wait3A_247 = arith.constant 0 : i32
    %dma_wait3A_248 = tpu.memref_slice %arg4[%add3A_236, %dma_wait3A_246, %dma_wait3A_247] : memref<16384x200x32xf32, #tpu.memory_space<hbm>> -> memref<8x200x32xf32, #tpu.memory_space<hbm>>
    %dma_wait3A_249 = arith.constant 0 : i32
    %dma_wait3A_250 = arith.constant 0 : i32
    %dma_wait3A_251 = arith.constant 0 : i32
    %dma_wait3A_252 = tpu.memref_slice %arg6[%dma_wait3A_237, %dma_wait3A_249, %dma_wait3A_250, %dma_wait3A_251] : memref<2x8x200x32xf32, #tpu.memory_space<vmem>> -> memref<1x8x200x32xf32, #tpu.memory_space<vmem>>
    %dma_wait3A_253 = tpu.memref_squeeze %dma_wait3A_252 : memref<1x8x200x32xf32, #tpu.memory_space<vmem>> -> memref<8x200x32xf32, #tpu.memory_space<vmem>>
    tpu.wait_dma2 semaphore(%arg10 : memref<!tpu.dma_semaphore, #tpu.memory_space<semaphore_mem>>) src(%dma_wait3A_253 : memref<8x200x32xf32, #tpu.memory_space<vmem>>) dst(%dma_wait3A_248 : memref<8x200x32xf32, #tpu.memory_space<hbm>>)
    %add3A_254 = arith.constant 504 : i32
    %add3A_255 = arith.addi %mul3A_2, %add3A_254 : i32
    %dma_wait3A_256 = arith.constant 1 : i32
    %dma_wait3A_257 = arith.constant 0 : i32
    %dma_wait3A_258 = arith.constant 0 : i32
    %dma_wait3A_259 = arith.constant 0 : i32
    %dma_wait3A_260 = tpu.memref_slice %arg6[%dma_wait3A_256, %dma_wait3A_257, %dma_wait3A_258, %dma_wait3A_259] : memref<2x8x200x32xf32, #tpu.memory_space<vmem>> -> memref<1x8x200x32xf32, #tpu.memory_space<vmem>>
    %dma_wait3A_261 = tpu.memref_squeeze %dma_wait3A_260 : memref<1x8x200x32xf32, #tpu.memory_space<vmem>> -> memref<8x200x32xf32, #tpu.memory_space<vmem>>
    %dma_wait3A_262 = arith.constant 0 : i32
    %dma_wait3A_263 = arith.constant 0 : i32
    %dma_wait3A_264 = tpu.memref_slice %arg4[%add3A_255, %dma_wait3A_262, %dma_wait3A_263] : memref<16384x200x32xf32, #tpu.memory_space<hbm>> -> memref<8x200x32xf32, #tpu.memory_space<hbm>>
    %dma_wait3A_265 = arith.constant 0 : i32
    %dma_wait3A_266 = arith.constant 0 : i32
    %dma_wait3A_267 = tpu.memref_slice %arg4[%add3A_255, %dma_wait3A_265, %dma_wait3A_266] : memref<16384x200x32xf32, #tpu.memory_space<hbm>> -> memref<8x200x32xf32, #tpu.memory_space<hbm>>
    %dma_wait3A_268 = arith.constant 0 : i32
    %dma_wait3A_269 = arith.constant 0 : i32
    %dma_wait3A_270 = arith.constant 0 : i32
    %dma_wait3A_271 = tpu.memref_slice %arg6[%dma_wait3A_256, %dma_wait3A_268, %dma_wait3A_269, %dma_wait3A_270] : memref<2x8x200x32xf32, #tpu.memory_space<vmem>> -> memref<1x8x200x32xf32, #tpu.memory_space<vmem>>
    %dma_wait3A_272 = tpu.memref_squeeze %dma_wait3A_271 : memref<1x8x200x32xf32, #tpu.memory_space<vmem>> -> memref<8x200x32xf32, #tpu.memory_space<vmem>>
    tpu.wait_dma2 semaphore(%arg11 : memref<!tpu.dma_semaphore, #tpu.memory_space<semaphore_mem>>) src(%dma_wait3A_272 : memref<8x200x32xf32, #tpu.memory_space<vmem>>) dst(%dma_wait3A_267 : memref<8x200x32xf32, #tpu.memory_space<hbm>>)
    return
  }
}

</mosaic_0001>

<sc_bundles>
// kernel: kernel.3.cloned.1.call-start
scs
__scs_entry_jumppad:
0x0: {  	(pc) =	sbr.rel $0x88, $3  }
0x1: {  	(tag) =	ssettag $0x0;
	lr =	simm.s32 $0x1  }
0x2: {  	[smem:$0x3F9F] =	sst lr;
	_ =	strace $0xD0000000  }
0x3: {  	_ = 	snop  }
0x4: {  	_ = 	snop  }
0x5: {  	_ = 	snop  }
0x6: {  	_ = 	snop  }
0x7: {  	_ = 	snop  }
__scs_overlays_trampoline_lowered:
0x8: {  	[smem:$0x3FAE] =	sst s0  }
0x9: {  	[smem:$0x3FAF] =	sst s1  }
0xa: {  	[smem:$0x3FB0] =	sst s2  }
0xb: {  	[smem:$0x3FB1] =	sst s3  }
0xc: {  	[smem:$0x3FB2] =	sst s4  }
0xd: {  	[smem:$0x3FB3] =	sst s5  }
0xe: {  	[smem:$0x3FB4] =	sst s6  }
0xf: {  	[smem:$0x3FB5] =	sst s7  }
0x10: {  	[smem:$0x3FB6] =	sst s8  }
0x11: {  	[smem:$0x3FB7] =	sst s9;
	s0 =	simm.s32 @!p0 $0x0  }
0x12: {  	s1 =	sld [smem:$0x3F9D];
	s0 =	simm.s32 @p0 $0x1  }
0x13: {  	[smem:$0x3FB8] =	sst s0;
	s0 =	simm.s32 @!p1 $0x0  }
0x14: {  	s2 =	sld [smem:$0x3F9C];
	s0 =	simm.s32 @p1 $0x1  }
0x15: {  	[smem:$0x3FB9] =	sst s0;
	s0 =	simm.s32 @!p2 $0x0  }
0x16: {  	s3 =	sld [smem:$0x3FDB];
	s0 =	simm.s32 @p2 $0x1  }
0x17: {  	s4 =	simm.s32 $0x1BF5;
	[smem:$0x3FBB] =	sst s0  }
0x18: {  	s0 =	sld [smem:$0x3F9E];
	_ =	swait.ge [sflag:s4], $0x0  }
0x19: {  	s7 =	sld [smem:$0x3F9F]  }
0x1a: {  	s8 =	sadd.s32 $0xFFFFE003, lr  }
0x1b: {  	s9 =	sadd.s32 $0xFFFFFEF7, lr;
	s5 =	simm.s32 $0xFFFFFFFF;
	p2 =	slt.u32 s8, $0xFFFFF086  }
0x1c: {  	p1 =	slt.u32 s9, $0xF7A;
	s5 =	simm.s32 @!p2 $0x0  }
0x1d: {  	s5 =	simm.s32 @p1 $0x1;
	p0 =	seq.s32 s7, s2  }
0x1e: {  	s7 =	smul.u32 @!p0 $0xF7A, s2;
	p2 =	seq.s32 @!p0 s5, $0x0  }
0x1f: {  	s9 =	smul.u32 $0xF7A, s1;
	s8 =	simm.s32 @!p0 $0x1BF5;
	p2 =	por !p2, p0  }
0x20: {  	[sflag:s8] =	ssyncset.s32 @!p0 $0xFFFFF086;
	s6 =	sadd.s32 @!p0 s3, s7;
	s7 =	simm.s32 @!p0 $0x108  }
0x21: {  	s3 =	sadd.s32 s3, s9;
	s6 =	sadd.s32 @!p0 $0x88, s6;
	s7 =	simm.s32 @p2 $0x1082  }
0x22: {  	[simem:s7], [sflag:s8] =	dma.local @!p0 [hbm:s6], $0xF7A  }
0x23: {  	s9 =	sor.u32 $0xD0000000, s2;
	s6 =	simm.s32 $0x108;
	_ =	swait.ge @!p0 [sflag:s8], $0x0  }
0x24: {  	s3 =	sadd.s32 $0x88, s3;
	s6 =	simm.s32 @!p1 $0x1082;
	[sflag:s4] =	ssyncset.s32 $0xFFFFF086  }
0x25: {  	[simem:s6], [sflag:s4] =	dma.local [hbm:s3], $0xF7A  }
0x26: {  	[smem:$0x3F9F] =	sst s1;
	(tag) =	ssettag s2;
	_ =	strace s9  }
0x27: {  	s1 =	sld [smem:$0x3FAF]  }
0x28: {  	s2 =	sld [smem:$0x3FB0]  }
0x29: {  	s4 =	sld [smem:$0x3FB2]  }
0x2a: {  	p0 =	seq.s32 s5, $0x0;
	s5 =	sld [smem:$0x3FB3]  }
0x2b: {  	s6 =	sld [smem:$0x3FB4]  }
0x2c: {  	s7 =	sld [smem:$0x3FB5]  }
0x2d: {  	s3 =	simm.s32 $0x108;
	s8 =	sld [smem:$0x3FB6]  }
0x2e: {  	s3 =	simm.s32 @!p0 $0x1082;
	s9 =	sld [smem:$0x3FB7]  }
0x2f: {  	lr =	sadd.s32 s0, s3;
	s0 =	sld [smem:$0x3FAE]  }
0x30: {  	s3 =	sld [smem:$0x3FB1]  }
0x31: {  	[smem:$0x3FBA] =	sst s10  }
0x32: {  	s10 =	sld [smem:$0x3FB8];
	_ =	sdelay $0x3  }
0x33: {  	p0 =	seq.s32 s10, $0x1;
	s10 =	sld [smem:$0x3FBA];
	_ =	sdelay $0x3  }
0x34: {  	[smem:$0x3FBA] =	sst s10  }
0x35: {  	s10 =	sld [smem:$0x3FB9];
	_ =	sdelay $0x3  }
0x36: {  	p1 =	seq.s32 s10, $0x1;
	s10 =	sld [smem:$0x3FBA];
	_ =	sdelay $0x3  }
0x37: {  	[smem:$0x3FBA] =	sst s10  }
0x38: {  	s10 =	sld [smem:$0x3FBB]  }
0x39: {  	_ = 	snop;
	(pc) =	sbr.ind lr, $3  }
0x3a: {  	_ = 	snop  }
0x3b: {  	_ = 	snop  }
0x3c: {  	p2 =	seq.s32 s10, $0x1;
	s10 =	sld [smem:$0x3FBA]  }
0x3d: {  	_ =	shalt  }
0x3e: {  	_ =	shalt  }
0x3f: {  	_ =	shalt  }
0x40: {  	_ =	shalt  }
0x41: {  	_ =	shalt  }
0x42: {  	_ =	shalt  }
0x43: {  	_ =	shalt  }
0x44: {  	_ =	shalt  }
0x45: {  	_ =	shalt  }
0x46: {  	_ =	shalt  }
0x47: {  	_ =	shalt  }
0x48: {  	_ =	shalt  }
0x49: {  	_ =	shalt  }
0x4a: {  	_ =	shalt  }
0x4b: {  	_ =	shalt  }
0x4c: {  	_ =	shalt  }
0x4d: {  	_ =	shalt  }
0x4e: {  	_ =	shalt  }
0x4f: {  	_ =	shalt  }
0x50: {  	_ =	shalt  }
0x51: {  	_ =	shalt  }
0x52: {  	_ =	shalt  }
0x53: {  	_ =	shalt  }
0x54: {  	_ =	shalt  }
0x55: {  	_ =	shalt  }
0x56: {  	_ =	shalt  }
0x57: {  	_ =	shalt  }
0x58: {  	_ =	shalt  }
0x59: {  	_ =	shalt  }
0x5a: {  	_ =	shalt  }
0x5b: {  	_ =	shalt  }
0x5c: {  	_ =	shalt  }
0x5d: {  	_ =	shalt  }
0x5e: {  	_ =	shalt  }
0x5f: {  	_ =	shalt  }
0x60: {  	_ =	shalt  }
0x61: {  	_ =	shalt  }
0x62: {  	_ =	shalt  }
0x63: {  	_ =	shalt  }
0x64: {  	_ =	shalt  }
0x65: {  	_ =	shalt  }
0x66: {  	_ =	shalt  }
0x67: {  	_ =	shalt  }
0x68: {  	_ =	shalt  }
0x69: {  	_ =	shalt  }
0x6a: {  	_ =	shalt  }
0x6b: {  	_ =	shalt  }
0x6c: {  	_ =	shalt  }
0x6d: {  	_ =	shalt  }
0x6e: {  	_ =	shalt  }
0x6f: {  	_ =	shalt  }
0x70: {  	_ =	shalt  }
0x71: {  	_ =	shalt  }
0x72: {  	_ =	shalt  }
0x73: {  	_ =	shalt  }
0x74: {  	_ =	shalt  }
0x75: {  	_ =	shalt  }
0x76: {  	_ =	shalt  }
0x77: {  	_ =	shalt  }
0x78: {  	_ =	shalt  }
0x79: {  	_ =	shalt  }
0x7a: {  	_ =	shalt  }
0x7b: {  	_ =	shalt  }
0x7c: {  	_ =	shalt  }
0x7d: {  	_ =	shalt  }
0x7e: {  	_ =	shalt  }
0x7f: {  	_ =	shalt  }
0x80: {  	_ =	shalt  }
0x81: {  	_ =	shalt  }
0x82: {  	_ =	shalt  }
0x83: {  	_ =	shalt  }
0x84: {  	_ =	shalt  }
0x85: {  	_ =	shalt  }
0x86: {  	_ =	shalt  }
0x87: {  	_ =	shalt  }
.Lfunc_end0:
.L_simem_size_0:
called_computation.1_lowered:
.L_overlay_start_0:
0x88: {  	s2 =	sld [smem:$0x3FD9]  }
0x89: {  	s3 =	sld [smem:$0x3FFE];
	_ =	sdelay $0x1  }
0x8a: {  	s1 =	srdreg.scid  }
0x8b: {  	s0 =	sand.u32 $0x1, s1  }
0x8c: {  	s17 =	sshll.u32 s0, $0xA;
	s2 =	sadd.s32 s3, s2  }
0x8d: {  	s2 =	sadd.s32 s2, s17  }
0x8e: {  	[smem:$0x3FC6] =	sst s2  }
0x8f: {  	_ = 	snop  }
0x90: {  	s2 =	sld [smem:$0x3FD0];
	(tm) =	ssettm $0x1  }
0x91: {  	s18 =	sld [smem:$0x3FFB];
	_ =	sdelay $0x3  }
0x92: {  	_ =	strace s18  }
0x93: {  	s3 =	sld [smem:$0x3FFC];
	_ =	sdelay $0x3  }
0x94: {  	_ =	strace s3  }
0x95: {  	s3 =	sld [smem:$0x3FFD];
	_ =	sdelay $0x3  }
0x96: {  	_ =	strace s3  }
0x97: {  	_ =	strace $0x8FFFFFFF  }
0x98: {  	s19 =	sld [smem:$0x3FDB];
	_ =	sdelay $0x1  }
0x99: {  	s4 =	simm.s32 $_scs_section_size  }
0x9a: {  	s5 =	simm.s32 $_size__tile_overlayer_lowered;
	s6 =	simm.s32 $_tile_overlayer_lowered  }
0x9b: {  	s22 =	simm.s32 $0x1BFF;
	s21 =	sshll.u32 s6, $0x1;
	s3 =	sadd.s32 s4, s19  }
0x9c: {  	s7 =	simm.s32 $0x0;
	s20 =	sshll.u32 s5, $0x1;
	s5 =	sadd.s32 s21, s3  }
0x9d: {  	[timem:s7], [sflag:s22] =	dma.local [hbm:s5], s20  }
0x9e: {  	_ =	swait.ge [sflag:s22], s20  }
0x9f: {  	s4 =	ssub.s32 $0x0, s20;
	[sflag:s22] =	ssyncset.done $0x0  }
0xa0: {  	[sflag:s22] =	ssyncadd.s32 s4;
	_ =	sdelay $0x1  }
0xa1: {  	s23 =	simm.s32 $0x1B8B  }
0xa2: {  	_ =	swait.ge [sflag:s23], $0x1  }
0xa3: {  	[sflag:s23] =	ssyncset.done $0x0  }
0xa4: {  	s25 =	simm.s32 $0x1B8E;
	s24 =	sld [smem:$0x3FFE];
	[sflag:s23] =	ssyncadd.s32 $0xFFFFFFFF  }
0xa5: {  	s26 =	simm.s32 $execute0_lowered;
	[smem:$0x3FD2] =	sst s25  }
0xa6: {  	s5 =	sshll.u32 s26, $0x1;
	_ =	strace $0x80000046;
	[dreg:$0x1] =	wrdreg $0xFFFFFFFF  }
0xa7: {  	s28 =	simm.s32 $_size_execute0_lowered;
	s3 =	sadd.s32 s3, s5;
	[dreg:$0x0] =	wrdreg $0x0  }
0xa8: {  	s5 =	sshll.u32 s28, $0x1;
	[dreg:$0x2] =	wrdreg s3  }
0xa9: {  	[dreg:$0x3] =	wrdreg s5  }
0xaa: {  	[dreg:$0x4] =	wrdreg $0xC0  }
0xab: {  	_ =	task [dreg:s7], $0x5FFFF  }
0xac: {  	[dreg:$0x1] =	wrdreg $0xFFFFFFFF  }
0xad: {  	[dreg:$0x0] =	wrdreg $0x60  }
0xae: {  	[dreg:$0x2] =	wrdreg s24  }
0xaf: {  	[dreg:$0x3] =	wrdreg s2  }
0xb0: {  	[dreg:$0x4] =	wrdreg $0x9  }
0xb1: {  	_ =	task.clear_ibuf [dreg:s7], $0x5FFFF;
	_ =	strace $0x90000046  }
0xb2: {  	s29 =	simm.s32 $0x9;
	_ =	strace $0x80000048  }
0xb3: {  	_ =	swait.ge [sflag:s29], $0x1  }
0xb4: {  	[sflag:s29] =	ssyncadd.s32 $0xFFFFFFFF  }
0xb5: {  	_ =	strace $0x90000048  }
0xb6: {  	_ =	sfence  }
0xb7: {  	s30 =	sld [smem:$0x0];
	_ =	sdelay $0x2  }
0xb8: {  	s31 =	sshll.u32 s1, $0xD;
	s1 =	sshrl.u32 s1, $0x2  }
0xb9: {  	s3 =	sand.u32 $0x4000, s31;
	s1 =	sadd.s32 s1, s30  }
0xba: {  	s0 =	sor.u32 s3, s0;
	s1 =	sshll.u32 s1, $0x11  }
0xbb: {  	s0 =	sor.u32 s1, s0  }
0xbc: {  	s0 =	sadd.s32 $0x8F2B, s0  }
0xbd: {  	[sflag:s0] =	ssyncadd.remote.s32 $0x1  }
0xbe: {  	_ =	sfence.sel $0xFFFF  }
0xbf: {  	[dreg:$0x0] =	wrdreg $0xFFFFFFFF;
	(pc) =	sbr.abs _section_cstart, $3  }
0xc0: {  	[dreg:$0x1] =	wrdreg $0xFFFFFFFF  }
0xc1: {  	_ =	task.clear_ibuf [dreg:s7], $0x2FFFF;
	_ =	strace $0x9FFFFFFF  }
0xc2: {  	(tm) =	ssettm $0x7FFFFFFF  }
0xc3: {  	_ =	shalt  }
tec
execute0_lowered:
.L_overlay_start_1:
0x0: {  	(tag) =	ssettag $0x1  }
0x1: {  	s0 =	rddreg [dreg:$0x0]  }
0x2: {  	s2 =	rddreg [dreg:$0x1];
	s3 =	simm.s32 $0x0  }
0x3: {  	s20 =	simm.s32 $0x2580;
	[smem:$0x7FF] =	sst s3  }
0x4: {  	s21 =	simm.s32 $0x190;
	_ =	strace $0x80000047;
	[dreg:$0x4] =	wrdreg s20  }
0x5: {  	s23 =	simm.s32 $0x3E80;
	[dreg:$0x5] =	wrdreg s21  }
0x6: {  	s24 =	simm.s32 $0x258;
	[dreg:$0x6] =	wrdreg s23  }
0x7: {  	s26 =	simm.s32 $0x5780;
	[dreg:$0x7] =	wrdreg s24  }
0x8: {  	s29 =	simm.s32 $0x320;
	[dreg:$0x8] =	wrdreg s26  }
0x9: {  	s1 =	srdreg.scid;
	s30 =	simm.s32 $0x7080;
	[dreg:$0x9] =	wrdreg s29  }
0xa: {  	s12 =	stileid.u32;
	s13 =	simm.s32 $0x8980;
	[dreg:$0xa] =	wrdreg s30  }
0xb: {  	s11 =	simm.s32 $0x4B0;
	s14 =	simm.s32 $0xA280;
	[dreg:$0xc] =	wrdreg s13  }
0xc: {  	s15 =	simm.s32 $0x578;
	s16 =	simm.s32 $0xBB80;
	[dreg:$0xd] =	wrdreg s11  }
0xd: {  	s18 =	simm.s32 $0x708;
	s1 =	sand.u32 $0x1, s1;
	[dreg:$0xe] =	wrdreg s14  }
0xe: {  	s5 =	sshll.u32 s12, $0xA;
	s4 =	sadd.s32 $0x800, s0;
	[dreg:$0xf] =	wrdreg s15  }
0xf: {  	s6 =	sshll.u32 s1, $0x9;
	s19 =	ssub.s32 $0x2, s1;
	[dreg:$0x10] =	wrdreg s16  }
0x10: {  	s10 =	smul.u32 $0x320000, s1;
	[dreg:$0x11] =	wrdreg s18;
	s20 =	simm.s32 $0xED80  }
0x11: {  	s1 =	smul.u32 $0x3200, s1;
	s21 =	simm.s32 $0x7D0;
	s23 =	simm.s32 $0x898  }
0x12: {  	s29 =	simm.s32 $0x13880;
	s13 =	simm.s32 $0xC8;
	[dreg:$0x12] =	wrdreg s20  }
0x13: {  	s30 =	simm.s32 $0xA28;
	s14 =	simm.s32 $0xC80;
	[dreg:$0x13] =	wrdreg s21  }
0x14: {  	s15 =	simm.s32 $0x640;
	s16 =	simm.s32 $0xD480;
	[dreg:$0x15] =	wrdreg s23  }
0x15: {  	s18 =	simm.s32 $0x16A80;
	s6 =	sor.u32 s6, s5;
	[dreg:$0x18] =	wrdreg s29  }
0x16: {  	s5 =	sadd.s32 $0xFA6C00, s0;
	s8 =	sshrl.u32 s19, $0x1;
	[dreg:$0x19] =	wrdreg s30  }
0x17: {  	s20 =	simm.s32 $0x18380;
	s21 =	simm.s32 $0x2;
	s22 =	smul.u32 $0x19, s6  }
0x18: {  	s7 =	sor.u32 $0x10, s6;
	s0 =	ssub.s32 s19, s8;
	s9 =	smul.u32 $0x1900, s6  }
0x19: {  	s6 =	simm.s32 $0x3E8;
	s19 =	smul.u32 $0x6400, s12;
	[dreg:$0x3] =	wrdreg s7  }
0x1a: {  	s7 =	smul.u32 $0x640000, s12;
	[dreg:$0xb] =	wrdreg s6;
	s0 =	smax.u32 s0, $0x1  }
0x1b: {  	s12 =	simm.s32 $0x1;
	s25 =	sadd.s32 s4, s22;
	[dreg:$0x1d] =	wrdreg s0  }
0x1c: {  	s28 =	sshrl.u32 s9, $0x3;
	s22 =	simm.s32 $0x10680;
	[dreg:$0x1b] =	wrdreg s25  }
0x1d: {  	s11 =	sadd.s32 s19, s4;
	[dreg:$0x14] =	wrdreg s22;
	s25 =	simm.s32 $0x11F80  }
0x1e: {  	s8 =	sadd.s32 s2, s28;
	s28 =	simm.s32 $0x960;
	[dreg:$0x16] =	wrdreg s25  }
0x1f: {  	s1 =	sadd.s32 s1, s11;
	s31 =	sadd.s32 $0x62700, s8;
	[dreg:$0x17] =	wrdreg s28  }
0x20: {  	s9 =	sadd.s32 s10, s7;
	s24 =	sadd.s32 $0xC8, s1;
	[dreg:$0x1c] =	wrdreg s31  }
0x21: {  	s10 =	sshrl.u32 s9, $0x3;
	s26 =	sadd.s32 $0xFFFF3800, s9;
	[dreg:$0x1f] =	wrdreg s24  }
0x22: {  	s19 =	simm.s32 $0xBB8;
	s17 =	sadd.s32 s10, s2;
	[smem:$0x7FD] =	sst s26  }
0x23: {  	s22 =	simm.s32 $0x3;
	s31 =	simm.s32 $0x15180;
	[dreg:$0x1e] =	wrdreg s17  }
0x24: {  	s25 =	simm.s32 $0x0;
	[dreg:$0x1a] =	wrdreg s31;
	s17 =	simm.s32 $0xAF0  }
.LBB2_1:
0x25: {  	s0 =	rddreg [dreg:$0x1b];
	p0 =	por $0x1, $0x1  }
0x26: {  	[tilespmem:s3], [sflag:$0x1] =	stream.linear.gather [hbm4b:s0+s3], $0x640, $0x38;
	[tilespmem:$0x19C80] =	vst v63  }
0x27: {  	s1 =	simm.s32 @!p0 $0x4  }
0x28: {  	_ =	swait.ge @!p0 [sflag:s1], $0xC800  }
0x29: {  	[sflag:s1] =	ssyncset.done @!p0 $0x0  }
0x2a: {  	[sflag:s1] =	ssyncadd.s32 @!p0 $0xFFFF3800  }
0x2b: {  	_ =	swait.ge [sflag:s12], $0x640  }
0x2c: {  	s23 =	rddreg [dreg:$0xe]  }
0x2d: {  	s9 =	rddreg [dreg:$0xa]  }
0x2e: {  	s26 =	rddreg [dreg:$0x5]  }
0x2f: {  	s28 =	rddreg [dreg:$0x4]  }
0x30: {  	[sflag:s12] =	ssyncset.done $0x0;
	s29 =	rddreg [dreg:$0x8]  }
0x31: {  	s30 =	rddreg [dreg:$0x6];
	[sflag:s12] =	ssyncadd.s32 $0xFFFFF9C0  }
0x32: {  	[tilespmem:s14], [sflag:$0x2] =	stream.indirect.gather [hbm4b:s5+s13], $0x20, s3, s13, $0xb8;
	[tilespmem:$0x19C80] =	vst v63  }
0x33: {  	s24 =	rddreg [dreg:$0x9]  }
0x34: {  	[tilespmem:s28], [sflag:$0x2] =	stream.indirect.gather [hbm4b:s5+s13], $0x20, s13, s13, $0xb8;
	[tilespmem:$0x19C80] =	vst v63  }
0x35: {  	s0 =	rddreg [dreg:$0x10]  }
0x36: {  	[tilespmem:s30], [sflag:$0x2] =	stream.indirect.gather [hbm4b:s5+s13], $0x20, s26, s13, $0xb8;
	[tilespmem:$0x19C80] =	vst v63  }
0x37: {  	s28 =	rddreg [dreg:$0x7]  }
0x38: {  	[tilespmem:s29], [sflag:$0x2] =	stream.indirect.gather [hbm4b:s5+s13], $0x20, s28, s13, $0xb8;
	[tilespmem:$0x19C80] =	vst v63  }
0x39: {  	s30 =	rddreg [dreg:$0xc]  }
0x3a: {  	[tilespmem:s9], [sflag:$0x2] =	stream.indirect.gather [hbm4b:s5+s13], $0x20, s24, s13, $0xb8;
	[tilespmem:$0x19C80] =	vst v63  }
0x3b: {  	s28 =	rddreg [dreg:$0xb]  }
0x3c: {  	[tilespmem:s30], [sflag:$0x2] =	stream.indirect.gather [hbm4b:s5+s13], $0x20, s28, s13, $0xb8;
	[tilespmem:$0x19C80] =	vst v63  }
0x3d: {  	s29 =	rddreg [dreg:$0xd]  }
0x3e: {  	[tilespmem:s23], [sflag:$0x2] =	stream.indirect.gather [hbm4b:s5+s13], $0x20, s29, s13, $0xb8;
	[tilespmem:$0x19C80] =	vst v63  }
0x3f: {  	s1 =	simm.s32 @!p0 $0x3;
	s6 =	rddreg [dreg:$0xf]  }
0x40: {  	[tilespmem:s0], [sflag:$0x2] =	stream.indirect.gather [hbm4b:s5+s13], $0x20, s6, s13, $0xb8;
	[tilespmem:$0x19C80] =	vst v63  }
0x41: {  	_ =	swait.ge @!p0 [sflag:s1], $0x1900  }
0x42: {  	[sflag:s1] =	ssyncset.done @!p0 $0x0  }
0x43: {  	[sflag:s1] =	ssyncadd.s32 @!p0 $0xFFFFE700  }
0x44: {  	_ =	swait.ge @!p0 [sflag:s1], $0x1900  }
0x45: {  	[sflag:s1] =	ssyncset.done @!p0 $0x0  }
0x46: {  	[sflag:s1] =	ssyncadd.s32 @!p0 $0xFFFFE700  }
0x47: {  	_ =	swait.ge @!p0 [sflag:s1], $0x1900  }
0x48: {  	[sflag:s1] =	ssyncset.done @!p0 $0x0  }
0x49: {  	[sflag:s1] =	ssyncadd.s32 @!p0 $0xFFFFE700  }
0x4a: {  	_ =	swait.ge @!p0 [sflag:s1], $0x1900  }
0x4b: {  	[sflag:s1] =	ssyncset.done @!p0 $0x0  }
0x4c: {  	[sflag:s1] =	ssyncadd.s32 @!p0 $0xFFFFE700  }
0x4d: {  	_ =	swait.ge @!p0 [sflag:s1], $0x1900  }
0x4e: {  	[sflag:s1] =	ssyncset.done @!p0 $0x0  }
0x4f: {  	[sflag:s1] =	ssyncadd.s32 @!p0 $0xFFFFE700  }
0x50: {  	_ =	swait.ge @!p0 [sflag:s1], $0x1900  }
0x51: {  	[sflag:s1] =	ssyncset.done @!p0 $0x0  }
0x52: {  	[sflag:s1] =	ssyncadd.s32 @!p0 $0xFFFFE700  }
0x53: {  	_ =	swait.ge @!p0 [sflag:s1], $0x1900  }
0x54: {  	[sflag:s1] =	ssyncset.done @!p0 $0x0;
	s6 =	sld [smem:$0x7FD]  }
0x55: {  	[sflag:s1] =	ssyncadd.s32 @!p0 $0xFFFFE700  }
0x56: {  	_ =	swait.ge @!p0 [sflag:s1], $0x1900  }
0x57: {  	s26 =	simm.s32 @!p0 $0xD480;
	s9 =	sshrl.u32 @!p0 s6, $0x3;
	[sflag:s1] =	ssyncset.done @!p0 $0x0  }
0x58: {  	s9 =	sadd.s32 @!p0 s2, s9;
	[sflag:s1] =	ssyncadd.s32 @!p0 $0xFFFFE700;
	s1 =	simm.s32 @!p0 $0x0  }
0x59: {  	[hbm4b:s9+s1] =	stream.linear.scatter @!p0 [tilespmem:s26], [sflag:$0x5], $0xC800, $0x38;
	[tilespmem:$0x19C80] =	vst v63  }
0x5a: {  	s7 =	rddreg [dreg:$0x1f];
	s1 =	simm.s32 @!p0 $0x5  }
0x5b: {  	[tilespmem:s15], [sflag:$0x1] =	stream.linear.gather [hbm4b:s7+s3], $0x640, $0x38;
	[tilespmem:$0x19C80] =	vst v63  }
0x5c: {  	_ =	swait.ge @!p0 [sflag:s1], $0xC800  }
0x5d: {  	[sflag:s1] =	ssyncset.done @!p0 $0x0  }
0x5e: {  	[sflag:s1] =	ssyncadd.s32 @!p0 $0xFFFF3800  }
0x5f: {  	_ =	swait.ge [sflag:s12], $0x640  }
0x60: {  	s8 =	rddreg [dreg:$0x19]  }
0x61: {  	s10 =	rddreg [dreg:$0x16]  }
0x62: {  	s11 =	rddreg [dreg:$0x14]  }
0x63: {  	[sflag:s12] =	ssyncset.done $0x0;
	s28 =	rddreg [dreg:$0x11]  }
0x64: {  	s29 =	rddreg [dreg:$0x12];
	[sflag:s12] =	ssyncadd.s32 $0xFFFFF9C0  }
0x65: {  	[tilespmem:s16], [sflag:$0x3] =	stream.indirect.gather [hbm4b:s5+s13], $0x20, s15, s13, $0xb8;
	[tilespmem:$0x19C80] =	vst v63  }
0x66: {  	s30 =	rddreg [dreg:$0x13]  }
0x67: {  	[tilespmem:s29], [sflag:$0x3] =	stream.indirect.gather [hbm4b:s5+s13], $0x20, s28, s13, $0xb8;
	[tilespmem:$0x19C80] =	vst v63  }
0x68: {  	s23 =	rddreg [dreg:$0x17]  }
0x69: {  	[tilespmem:s11], [sflag:$0x3] =	stream.indirect.gather [hbm4b:s5+s13], $0x20, s30, s13, $0xb8;
	[tilespmem:$0x19C80] =	vst v63  }
0x6a: {  	s29 =	rddreg [dreg:$0x15]  }
0x6b: {  	[tilespmem:s10], [sflag:$0x3] =	stream.indirect.gather [hbm4b:s5+s13], $0x20, s29, s13, $0xb8;
	[tilespmem:$0x19C80] =	vst v63  }
0x6c: {  	s28 =	rddreg [dreg:$0x18]  }
0x6d: {  	[tilespmem:s28], [sflag:$0x3] =	stream.indirect.gather [hbm4b:s5+s13], $0x20, s23, s13, $0xb8;
	[tilespmem:$0x19C80] =	vst v63  }
0x6e: {  	s24 =	rddreg [dreg:$0x1a]  }
0x6f: {  	[tilespmem:s24], [sflag:$0x3] =	stream.indirect.gather [hbm4b:s5+s13], $0x20, s8, s13, $0xb8;
	[tilespmem:$0x19C80] =	vst v63  }
0x70: {  	_ = 	snop  }
0x71: {  	[tilespmem:s18], [sflag:$0x3] =	stream.indirect.gather [hbm4b:s5+s13], $0x20, s17, s13, $0xb8;
	[tilespmem:$0x19C80] =	vst v63  }
0x72: {  	_ = 	snop  }
0x73: {  	[tilespmem:s20], [sflag:$0x3] =	stream.indirect.gather [hbm4b:s5+s13], $0x20, s19, s13, $0xb8;
	[tilespmem:$0x19C80] =	vst v63  }
0x74: {  	_ =	swait.ge [sflag:s21], $0x1900  }
0x75: {  	[sflag:s21] =	ssyncset.done $0x0  }
0x76: {  	[sflag:s21] =	ssyncadd.s32 $0xFFFFE700  }
0x77: {  	_ =	swait.ge [sflag:s21], $0x1900  }
0x78: {  	[sflag:s21] =	ssyncset.done $0x0  }
0x79: {  	[sflag:s21] =	ssyncadd.s32 $0xFFFFE700  }
0x7a: {  	_ =	swait.ge [sflag:s21], $0x1900  }
0x7b: {  	[sflag:s21] =	ssyncset.done $0x0  }
0x7c: {  	[sflag:s21] =	ssyncadd.s32 $0xFFFFE700  }
0x7d: {  	_ =	swait.ge [sflag:s21], $0x1900  }
0x7e: {  	[sflag:s21] =	ssyncset.done $0x0  }
0x7f: {  	[sflag:s21] =	ssyncadd.s32 $0xFFFFE700  }
0x80: {  	_ =	swait.ge [sflag:s21], $0x1900  }
0x81: {  	[sflag:s21] =	ssyncset.done $0x0  }
0x82: {  	[sflag:s21] =	ssyncadd.s32 $0xFFFFE700  }
0x83: {  	_ =	swait.ge [sflag:s21], $0x1900  }
0x84: {  	[sflag:s21] =	ssyncset.done $0x0  }
0x85: {  	[sflag:s21] =	ssyncadd.s32 $0xFFFFE700  }
0x86: {  	s26 =	simm.s32 $0x2;
	_ =	swait.ge [sflag:s21], $0x1900  }
0x87: {  	s30 =	sadd.s32 $0x19000, s6;
	s29 =	sadd.s32 $0x190, s7;
	s9 =	rddreg [dreg:$0x1e]  }
0x88: {  	s28 =	simm.s32 $0x0;
	[sflag:s21] =	ssyncset.done $0x0;
	s31 =	smov.u32 s9  }
.LBB2_2:
0x89: {  	[sflag:s21] =	ssyncadd.s32 $0xFFFFE700  }
0x8a: {  	s7 =	smin.u32 s28, $0x3D;
	_ =	swait.ge [sflag:s21], $0x1900  }
0x8b: {  	s1 =	smov.u32 s26;
	s7 =	sshll.u32 s7, $0x3;
	s6 =	rddreg [dreg:$0x3]  }
0x8c: {  	s28 =	smov.u32 s1;
	[sflag:s21] =	ssyncset.done $0x0;
	s1 =	sadd.s32 s7, s6  }
0x8d: {  	p1 =	seq.s32 s28, $0x0;
	[sflag:s21] =	ssyncadd.s32 $0xFFFFE700;
	s1 =	smul.u32 $0x19, s1  }
0x8e: {  	[hbm4b:s9+s3] =	stream.linear.scatter [tilespmem:s14], [sflag:$0x4], $0xC800, $0x38;
	[tilespmem:$0x19C80] =	vst v63  }
0x8f: {  	s6 =	simm.s32 @!p1 $0x4;
	s1 =	sadd.s32 s4, s1  }
0x90: {  	[tilespmem:s3], [sflag:$0x1] =	stream.linear.gather [hbm4b:s1+s3], $0x640, $0x38;
	[tilespmem:$0x19C80] =	vst v63  }
0x91: {  	_ =	swait.ge @!p1 [sflag:s6], $0xC800  }
0x92: {  	[sflag:s6] =	ssyncset.done @!p1 $0x0  }
0x93: {  	[sflag:s6] =	ssyncadd.s32 @!p1 $0xFFFF3800  }
0x94: {  	_ =	swait.ge [sflag:s12], $0x640  }
0x95: {  	s7 =	sshrl.u32 @!p1 s30, $0x3;
	s6 =	rddreg [dreg:$0xe]  }
0x96: {  	s1 =	sadd.s32 @!p1 s2, s7;
	s7 =	rddreg [dreg:$0xa]  }
0x97: {  	s8 =	rddreg [dreg:$0x5]  }
0x98: {  	s23 =	rddreg [dreg:$0x4]  }
0x99: {  	[sflag:s12] =	ssyncset.done $0x0;
	s24 =	rddreg [dreg:$0x8]  }
0x9a: {  	s0 =	rddreg [dreg:$0x6];
	[sflag:s12] =	ssyncadd.s32 $0xFFFFF9C0  }
0x9b: {  	[tilespmem:s14], [sflag:$0x2] =	stream.indirect.gather [hbm4b:s5+s13], $0x20, s3, s13, $0xb8;
	[tilespmem:$0x19C80] =	vst v63  }
0x9c: {  	s10 =	rddreg [dreg:$0x7]  }
0x9d: {  	[tilespmem:s23], [sflag:$0x2] =	stream.indirect.gather [hbm4b:s5+s13], $0x20, s13, s13, $0xb8;
	[tilespmem:$0x19C80] =	vst v63  }
0x9e: {  	s11 =	rddreg [dreg:$0x9]  }
0x9f: {  	[tilespmem:s0], [sflag:$0x2] =	stream.indirect.gather [hbm4b:s5+s13], $0x20, s8, s13, $0xb8;
	[tilespmem:$0x19C80] =	vst v63  }
0xa0: {  	s23 =	rddreg [dreg:$0xc]  }
0xa1: {  	[tilespmem:s24], [sflag:$0x2] =	stream.indirect.gather [hbm4b:s5+s13], $0x20, s10, s13, $0xb8;
	[tilespmem:$0x19C80] =	vst v63  }
0xa2: {  	s8 =	rddreg [dreg:$0xb]  }
0xa3: {  	[tilespmem:s7], [sflag:$0x2] =	stream.indirect.gather [hbm4b:s5+s13], $0x20, s11, s13, $0xb8;
	[tilespmem:$0x19C80] =	vst v63  }
0xa4: {  	s24 =	rddreg [dreg:$0xd]  }
0xa5: {  	[tilespmem:s23], [sflag:$0x2] =	stream.indirect.gather [hbm4b:s5+s13], $0x20, s8, s13, $0xb8;
	[tilespmem:$0x19C80] =	vst v63  }
0xa6: {  	s10 =	rddreg [dreg:$0x10]  }
0xa7: {  	[tilespmem:s6], [sflag:$0x2] =	stream.indirect.gather [hbm4b:s5+s13], $0x20, s24, s13, $0xb8;
	[tilespmem:$0x19C80] =	vst v63  }
0xa8: {  	s11 =	rddreg [dreg:$0xf];
	s6 =	simm.s32 @!p1 $0x3  }
0xa9: {  	[tilespmem:s10], [sflag:$0x2] =	stream.indirect.gather [hbm4b:s5+s13], $0x20, s11, s13, $0xb8;
	[tilespmem:$0x19C80] =	vst v63  }
0xaa: {  	_ =	swait.ge @!p1 [sflag:s6], $0x1900  }
0xab: {  	[sflag:s6] =	ssyncset.done @!p1 $0x0  }
0xac: {  	[sflag:s6] =	ssyncadd.s32 @!p1 $0xFFFFE700  }
0xad: {  	_ =	swait.ge @!p1 [sflag:s6], $0x1900  }
0xae: {  	[sflag:s6] =	ssyncset.done @!p1 $0x0  }
0xaf: {  	[sflag:s6] =	ssyncadd.s32 @!p1 $0xFFFFE700  }
0xb0: {  	_ =	swait.ge @!p1 [sflag:s6], $0x1900  }
0xb1: {  	[sflag:s6] =	ssyncset.done @!p1 $0x0  }
0xb2: {  	[sflag:s6] =	ssyncadd.s32 @!p1 $0xFFFFE700  }
0xb3: {  	_ =	swait.ge @!p1 [sflag:s6], $0x1900  }
0xb4: {  	[sflag:s6] =	ssyncset.done @!p1 $0x0  }
0xb5: {  	[sflag:s6] =	ssyncadd.s32 @!p1 $0xFFFFE700  }
0xb6: {  	_ =	swait.ge @!p1 [sflag:s6], $0x1900  }
0xb7: {  	[sflag:s6] =	ssyncset.done @!p1 $0x0  }
0xb8: {  	[sflag:s6] =	ssyncadd.s32 @!p1 $0xFFFFE700  }
0xb9: {  	_ =	swait.ge @!p1 [sflag:s6], $0x1900  }
0xba: {  	[sflag:s6] =	ssyncset.done @!p1 $0x0  }
0xbb: {  	[sflag:s6] =	ssyncadd.s32 @!p1 $0xFFFFE700  }
0xbc: {  	_ =	swait.ge @!p1 [sflag:s6], $0x1900  }
0xbd: {  	[sflag:s6] =	ssyncset.done @!p1 $0x0  }
0xbe: {  	[sflag:s6] =	ssyncadd.s32 @!p1 $0xFFFFE700  }
0xbf: {  	_ =	swait.ge @!p1 [sflag:s6], $0x1900  }
0xc0: {  	[sflag:s6] =	ssyncset.done @!p1 $0x0  }
0xc1: {  	s0 =	simm.s32 @!p1 $0x0;
	[sflag:s6] =	ssyncadd.s32 @!p1 $0xFFFFE700;
	s6 =	simm.s32 @!p1 $0xD480  }
0xc2: {  	[hbm4b:s1+s0] =	stream.linear.scatter @!p1 [tilespmem:s6], [sflag:$0x5], $0xC800, $0x38;
	[tilespmem:$0x19C80] =	vst v63  }
0xc3: {  	s0 =	simm.s32 @!p1 $0x5  }
0xc4: {  	[tilespmem:s15], [sflag:$0x1] =	stream.linear.gather [hbm4b:s29+s3], $0x640, $0x38;
	[tilespmem:$0x19C80] =	vst v63  }
0xc5: {  	_ =	swait.ge @!p1 [sflag:s0], $0xC800  }
0xc6: {  	[sflag:s0] =	ssyncset.done @!p1 $0x0  }
0xc7: {  	[sflag:s0] =	ssyncadd.s32 @!p1 $0xFFFF3800  }
0xc8: {  	_ =	swait.ge [sflag:s12], $0x640  }
0xc9: {  	s0 =	rddreg [dreg:$0x19]  }
0xca: {  	s1 =	rddreg [dreg:$0x16]  }
0xcb: {  	s6 =	rddreg [dreg:$0x14]  }
0xcc: {  	[sflag:s12] =	ssyncset.done $0x0;
	s7 =	rddreg [dreg:$0x13]  }
0xcd: {  	s23 =	rddreg [dreg:$0x11];
	[sflag:s12] =	ssyncadd.s32 $0xFFFFF9C0  }
0xce: {  	[tilespmem:s16], [sflag:$0x3] =	stream.indirect.gather [hbm4b:s5+s13], $0x20, s15, s13, $0xb8;
	[tilespmem:$0x19C80] =	vst v63  }
0xcf: {  	s24 =	rddreg [dreg:$0x12]  }
0xd0: {  	[tilespmem:s24], [sflag:$0x3] =	stream.indirect.gather [hbm4b:s5+s13], $0x20, s23, s13, $0xb8;
	[tilespmem:$0x19C80] =	vst v63  }
0xd1: {  	s11 =	rddreg [dreg:$0x18]  }
0xd2: {  	[tilespmem:s6], [sflag:$0x3] =	stream.indirect.gather [hbm4b:s5+s13], $0x20, s7, s13, $0xb8;
	[tilespmem:$0x19C80] =	vst v63  }
0xd3: {  	s10 =	rddreg [dreg:$0x15]  }
0xd4: {  	[tilespmem:s1], [sflag:$0x3] =	stream.indirect.gather [hbm4b:s5+s13], $0x20, s10, s13, $0xb8;
	[tilespmem:$0x19C80] =	vst v63  }
0xd5: {  	s23 =	rddreg [dreg:$0x17]  }
0xd6: {  	[tilespmem:s11], [sflag:$0x3] =	stream.indirect.gather [hbm4b:s5+s13], $0x20, s23, s13, $0xb8;
	[tilespmem:$0x19C80] =	vst v63  }
0xd7: {  	s24 =	rddreg [dreg:$0x1a]  }
0xd8: {  	[tilespmem:s24], [sflag:$0x3] =	stream.indirect.gather [hbm4b:s5+s13], $0x20, s0, s13, $0xb8;
	[tilespmem:$0x19C80] =	vst v63  }
0xd9: {  	_ = 	snop  }
0xda: {  	[tilespmem:s18], [sflag:$0x3] =	stream.indirect.gather [hbm4b:s5+s13], $0x20, s17, s13, $0xb8;
	[tilespmem:$0x19C80] =	vst v63  }
0xdb: {  	_ = 	snop  }
0xdc: {  	[tilespmem:s20], [sflag:$0x3] =	stream.indirect.gather [hbm4b:s5+s13], $0x20, s19, s13, $0xb8;
	[tilespmem:$0x19C80] =	vst v63  }
0xdd: {  	_ =	swait.ge [sflag:s21], $0x1900  }
0xde: {  	[sflag:s21] =	ssyncset.done $0x0  }
0xdf: {  	[sflag:s21] =	ssyncadd.s32 $0xFFFFE700  }
0xe0: {  	_ =	swait.ge [sflag:s21], $0x1900  }
0xe1: {  	[sflag:s21] =	ssyncset.done $0x0  }
0xe2: {  	[sflag:s21] =	ssyncadd.s32 $0xFFFFE700  }
0xe3: {  	_ =	swait.ge [sflag:s21], $0x1900  }
0xe4: {  	[sflag:s21] =	ssyncset.done $0x0  }
0xe5: {  	[sflag:s21] =	ssyncadd.s32 $0xFFFFE700  }
0xe6: {  	_ =	swait.ge [sflag:s21], $0x1900  }
0xe7: {  	[sflag:s21] =	ssyncset.done $0x0  }
0xe8: {  	[sflag:s21] =	ssyncadd.s32 $0xFFFFE700  }
0xe9: {  	_ =	swait.ge [sflag:s21], $0x1900  }
0xea: {  	s26 =	sadd.s32 $0x2, s26;
	[sflag:s21] =	ssyncset.done $0x0  }
0xeb: {  	p0 =	sne.s32 s26, $0x40;
	[sflag:s21] =	ssyncadd.s32 $0xFFFFE700  }
.Ltmp0:
0xec: {  	_ =	swait.ge [sflag:s21], $0x1900;
	(pc) =	sbr.rel @p0 .LBB2_2-.Ltmp0, $4  }
0xed: {  	[sflag:s21] =	ssyncset.done $0x0  }
0xee: {  	[sflag:s21] =	ssyncadd.s32 $0xFFFFE700  }
0xef: {  	s31 =	sadd.s32 $0x3200, s31;
	s30 =	sadd.s32 $0x19000, s30;
	_ =	swait.ge [sflag:s21], $0x1900  }
0xf0: {  	s9 =	smov.u32 s31;
	s29 =	sadd.s32 $0x190, s29;
	[sflag:s21] =	ssyncset.done $0x0  }
0xf1: {  	[sflag:s21] =	ssyncadd.s32 $0xFFFFE700  }
0xf2: {  	s1 =	smin.u32 s28, $0x3D;
	_ =	swait.ge [sflag:s21], $0x1900  }
0xf3: {  	s1 =	sshll.u32 s1, $0x3;
	s0 =	rddreg [dreg:$0x3]  }
0xf4: {  	[sflag:s21] =	ssyncset.done $0x0;
	s0 =	sadd.s32 s1, s0  }
0xf5: {  	[sflag:s21] =	ssyncadd.s32 $0xFFFFE700;
	s0 =	smul.u32 $0x19, s0  }
0xf6: {  	[hbm4b:s9+s3] =	stream.linear.scatter [tilespmem:s14], [sflag:$0x4], $0xC800, $0x38;
	[tilespmem:$0x19C80] =	vst v63  }
0xf7: {  	s0 =	sadd.s32 s4, s0  }
0xf8: {  	[tilespmem:s3], [sflag:$0x1] =	stream.linear.gather [hbm4b:s0+s3], $0x640, $0x38;
	[tilespmem:$0x19C80] =	vst v63  }
0xf9: {  	_ =	swait.ge [sflag:s22], $0x1900  }
0xfa: {  	[sflag:s22] =	ssyncset.done $0x0  }
0xfb: {  	[sflag:s22] =	ssyncadd.s32 $0xFFFFE700  }
0xfc: {  	_ =	swait.ge [sflag:s22], $0x1900  }
0xfd: {  	[sflag:s22] =	ssyncset.done $0x0  }
0xfe: {  	[sflag:s22] =	ssyncadd.s32 $0xFFFFE700  }
0xff: {  	_ =	swait.ge [sflag:s22], $0x1900  }
0x100: {  	[sflag:s22] =	ssyncset.done $0x0  }
0x101: {  	[sflag:s22] =	ssyncadd.s32 $0xFFFFE700  }
0x102: {  	_ =	swait.ge [sflag:s22], $0x1900  }
0x103: {  	[sflag:s22] =	ssyncset.done $0x0  }
0x104: {  	[sflag:s22] =	ssyncadd.s32 $0xFFFFE700  }
0x105: {  	_ =	swait.ge [sflag:s22], $0x1900  }
0x106: {  	[sflag:s22] =	ssyncset.done $0x0  }
0x107: {  	[sflag:s22] =	ssyncadd.s32 $0xFFFFE700  }
0x108: {  	_ =	swait.ge [sflag:s22], $0x1900  }
0x109: {  	[sflag:s22] =	ssyncset.done $0x0  }
0x10a: {  	[sflag:s22] =	ssyncadd.s32 $0xFFFFE700  }
0x10b: {  	_ =	swait.ge [sflag:s22], $0x1900  }
0x10c: {  	[sflag:s22] =	ssyncset.done $0x0  }
0x10d: {  	[sflag:s22] =	ssyncadd.s32 $0xFFFFE700  }
0x10e: {  	_ =	swait.ge [sflag:s22], $0x1900  }
0x10f: {  	[sflag:s22] =	ssyncset.done $0x0  }
0x110: {  	s28 =	rddreg [dreg:$0x1c];
	[sflag:s22] =	ssyncadd.s32 $0xFFFFE700  }
0x111: {  	[hbm4b:s28+s3] =	stream.linear.scatter [tilespmem:s16], [sflag:$0x5], $0xC800, $0x38;
	[tilespmem:$0x19C80] =	vst v63  }
0x112: {  	_ =	swait.ge [sflag:s12], $0x640  }
0x113: {  	[sflag:s12] =	ssyncset.done $0x0  }
0x114: {  	s29 =	simm.s32 $0x4;
	[sflag:s12] =	ssyncadd.s32 $0xFFFFF9C0  }
0x115: {  	_ =	swait.ge [sflag:s29], $0xC800  }
0x116: {  	[sflag:s29] =	ssyncset.done $0x0  }
0x117: {  	s30 =	simm.s32 $0x5;
	[sflag:s29] =	ssyncadd.s32 $0xFFFF3800  }
0x118: {  	_ =	swait.ge [sflag:s30], $0xC800  }
0x119: {  	s25 =	sadd.s32 $0x1, s25;
	s31 =	rddreg [dreg:$0x1d]  }
0x11a: {  	p0 =	sne.s32 s25, s31  }
.Ltmp1:
0x11b: {  	_ = 	snop;
	(pc) =	sbr.rel @p0 .LBB2_1-.Ltmp1, $3  }
0x11c: {  	_ =	sdelay $0x1  }
0x11d: {  	[sflag:s30] =	ssyncset.done $0x0  }
0x11e: {  	[sflag:s30] =	ssyncadd.s32 $0xFFFF3800  }
0x11f: {  	_ =	sfence.sel $0x180000  }
0x120: {  	[bflag:$0x0] =	sbarrier.arrive $0xFFFF  }
0x121: {  	_ =	strace $0x90000047  }
0x122: {  	s0 =	stileid.u32;
	[bflag:$0x2] =	sbarrier.arrive $0xFFFF  }
0x123: {  	p0 =	sne.s32 s0, $0x0;
	s0 =	rddreg [dreg:$0x2]  }
0x124: {  	s0 =	sadd.s32 @!p0 $0x100000, s0  }
0x125: {  	[sflag:s0] =	ssyncadd.tile.s32 @!p0 $0x1;
	_ =	shalt  }
.Lfunc_end2:
_tile_overlayer_lowered:
.L_overlay_start_2:
0x126: {  	(tag) =	ssettag $0x2  }
0x127: {  	s0 =	rddreg [dreg:$0x0];
	s2 =	stileid.u32  }
0x128: {  	s1 =	rddreg [dreg:$0x1];
	p0 =	sne.s32 s2, $0x0  }
0x129: {  	s3 =	rddreg [dreg:$0x2];
	[bflag:$0x3] =	sbarrier.arrive $0xFFFF;
	s2 =	simm.s32 @!p0 $0x1C06  }
0x12a: {  	[timem:s3], [sflag:s2] =	dma.local @!p0 [hbm:s0], s1  }
0x12b: {  	s0 =	simm.s32 @!p0 $0x6  }
0x12c: {  	_ =	swait.ge @!p0 [sflag:s0], s1  }
0x12d: {  	s1 =	ssub.s32 @!p0 $0x0, s1;
	[sflag:s0] =	ssyncset.done @!p0 $0x0  }
0x12e: {  	[sflag:s0] =	ssyncadd.s32 @!p0 s1  }
0x12f: {  	[bflag:$0x3] =	sbarrier.arrive $0xFFFF  }
0x130: {  	_ =	shalt  }

// kernel: sparse-core-data-format-call.cloned.1.call-start
scs
called_computation_lowered:
.L_overlay_start_0:
0x0: {  	s2 =	sld [smem:$0x3FD9]  }
0x1: {  	s3 =	sld [smem:$0x3FFE];
	_ =	sdelay $0x1  }
0x2: {  	s1 =	srdreg.scid  }
0x3: {  	s0 =	sand.u32 $0x1, s1  }
0x4: {  	s18 =	sshll.u32 s0, $0xA;
	s2 =	sadd.s32 s3, s2  }
0x5: {  	s2 =	sadd.s32 s2, s18  }
0x6: {  	[smem:$0x3FC6] =	sst s2  }
0x7: {  	_ = 	snop  }
0x8: {  	s2 =	sld [smem:$0x3FD0];
	(tm) =	ssettm $0x1  }
0x9: {  	s19 =	sld [smem:$0x3FFB];
	_ =	sdelay $0x3  }
0xa: {  	_ =	strace s19  }
0xb: {  	s3 =	sld [smem:$0x3FFC];
	_ =	sdelay $0x3  }
0xc: {  	_ =	strace s3  }
0xd: {  	s3 =	sld [smem:$0x3FFD];
	_ =	sdelay $0x3  }
0xe: {  	_ =	strace s3  }
0xf: {  	_ =	strace $0x8FFFFFFF  }
0x10: {  	s20 =	sld [smem:$0x3FDB];
	_ =	sdelay $0x1  }
0x11: {  	s4 =	simm.s32 $_scs_section_size  }
0x12: {  	s5 =	simm.s32 $_size__tile_overlayer_lowered;
	s6 =	simm.s32 $_tile_overlayer_lowered  }
0x13: {  	s23 =	simm.s32 $0x1BFF;
	s22 =	sshll.u32 s6, $0x1;
	s3 =	sadd.s32 s4, s20  }
0x14: {  	s7 =	simm.s32 $0x0;
	s21 =	sshll.u32 s5, $0x1;
	s5 =	sadd.s32 s22, s3  }
0x15: {  	[timem:s7], [sflag:s23] =	dma.local [hbm:s5], s21  }
0x16: {  	_ =	swait.ge [sflag:s23], s21  }
0x17: {  	s4 =	ssub.s32 $0x0, s21;
	[sflag:s23] =	ssyncset.done $0x0  }
0x18: {  	[sflag:s23] =	ssyncadd.s32 s4;
	_ =	sdelay $0x1  }
0x19: {  	s24 =	simm.s32 $0x1B8B  }
0x1a: {  	_ =	swait.ge [sflag:s24], $0x1  }
0x1b: {  	[sflag:s24] =	ssyncset.done $0x0  }
0x1c: {  	s26 =	simm.s32 $0x1B8E;
	s25 =	sld [smem:$0x3FFE];
	[sflag:s24] =	ssyncadd.s32 $0xFFFFFFFF  }
0x1d: {  	s27 =	simm.s32 $execute0_lowered;
	[smem:$0x3FD2] =	sst s26  }
0x1e: {  	s5 =	sshll.u32 s27, $0x1;
	_ =	strace $0x80000049;
	[dreg:$0x1] =	wrdreg $0xFFFFFFFF  }
0x1f: {  	s28 =	simm.s32 $_size_execute0_lowered;
	s3 =	sadd.s32 s3, s5;
	[dreg:$0x0] =	wrdreg $0x0  }
0x20: {  	s5 =	sshll.u32 s28, $0x1;
	[dreg:$0x2] =	wrdreg s3  }
0x21: {  	[dreg:$0x3] =	wrdreg s5  }
0x22: {  	[dreg:$0x4] =	wrdreg $0xC0  }
0x23: {  	_ =	task [dreg:s7], $0x5FFFF  }
0x24: {  	[dreg:$0x1] =	wrdreg $0xFFFFFFFF  }
0x25: {  	[dreg:$0x0] =	wrdreg $0x60  }
0x26: {  	[dreg:$0x2] =	wrdreg s25  }
0x27: {  	[dreg:$0x3] =	wrdreg s2  }
0x28: {  	[dreg:$0x4] =	wrdreg $0x9  }
0x29: {  	_ =	task.clear_ibuf [dreg:s7], $0x5FFFF;
	_ =	strace $0x90000049  }
0x2a: {  	s29 =	simm.s32 $0x9;
	_ =	strace $0x8000004B  }
0x2b: {  	_ =	swait.ge [sflag:s29], $0x1  }
0x2c: {  	[sflag:s29] =	ssyncadd.s32 $0xFFFFFFFF  }
0x2d: {  	_ =	strace $0x9000004B  }
0x2e: {  	_ =	sfence  }
0x2f: {  	s30 =	sld [smem:$0x0];
	_ =	sdelay $0x2  }
0x30: {  	s31 =	sshll.u32 s1, $0xD;
	s1 =	sshrl.u32 s1, $0x2  }
0x31: {  	s3 =	sand.u32 $0x4000, s31;
	s1 =	sadd.s32 s1, s30  }
0x32: {  	s0 =	sor.u32 s3, s0;
	s1 =	sshll.u32 s1, $0x11  }
0x33: {  	s0 =	sor.u32 s1, s0  }
0x34: {  	s0 =	sadd.s32 $0x8F2B, s0  }
0x35: {  	[sflag:s0] =	ssyncadd.remote.s32 $0x1  }
0x36: {  	_ =	sfence.sel $0xFFFF  }
0x37: {  	[dreg:$0x0] =	wrdreg $0xFFFFFFFF;
	(pc) =	sbr.abs _section_cstart, $3  }
0x38: {  	[dreg:$0x1] =	wrdreg $0xFFFFFFFF  }
0x39: {  	_ =	task.clear_ibuf [dreg:s7], $0x2FFFF;
	_ =	strace $0x9FFFFFFF  }
0x3a: {  	(tm) =	ssettm $0x7FFFFFFF  }
0x3b: {  	_ =	shalt  }
tec
execute0_lowered:
.L_overlay_start_1:
0x0: {  	(tag) =	ssettag $0x1  }
0x1: {  	s0 =	srdreg.scid  }
0x2: {  	s1 =	sshll.u32 s0, $0x4  }
0x3: {  	s0 =	stileid.u32;
	s1 =	sand.u32 $0x10, s1  }
0x4: {  	s1 =	sor.u32 s0, s1  }
0x5: {  	s6 =	rddreg [dreg:$0x0];
	s4 =	simm.s32 $0x1;
	s2 =	sshll.u32 s1, $0x7  }
0x6: {  	s7 =	simm.s32 $0x2;
	s12 =	simm.s32 $0x0;
	s1 =	ssub.s32 $0x4000, s2  }
0x7: {  	s8 =	simm.s32 $0x20000;
	s13 =	simm.s32 $0x0;
	s3 =	sand.u32 $0xF80, s1  }
0x8: {  	s9 =	simm.s32 $0x0;
	s5 =	sshrl.u32 s1, $0xC;
	p0 =	sne.s32 s3, $0x0  }
.Ltmp0:
0x9: {  	s1 =	rddreg [dreg:$0x2];
	s4 =	simm.s32 @!p0 $0x0;
	(pc) =	sbr.rel .LBB1_1-.Ltmp0, $4  }
0xa: {  	s11 =	simm.s32 $0x0;
	s3 =	rddreg [dreg:$0x1];
	s5 =	sadd.s32 s4, s5  }
0xb: {  	_ =	strace $0x8000004A;
	s4 =	simm.s32 $0x1;
	s5 =	smul.u32 $0xC8, s5  }
0xc: {  	s6 =	sadd.s32 $0x800, s6;
	s10 =	smov.u32 s2;
	[sflag:s4] =	ssyncpa.u1 $0x0  }
0xd: {  	p0 =	por $0x0, $0x0;
	[sflag:s7] =	ssyncpa.u1 $0x0;
	s7 =	sor.u32 $0x1, s5  }
.LBB1_4:
0xe: {  	s16 =	sshll.u32 s13, $0x3;
	s17 =	sand.u32 $0x78, s13  }
0xf: {  	s30 =	sand.u32 $0xF800, s13;
	s12 =	sshll.u32 s12, $0x10;
	s16 =	sand.u32 $0x3C00, s16  }
0x10: {  	s31 =	sand.u32 $0x7, s13;
	s16 =	sor.u32 s17, s16;
	s17 =	sadd.s32 s3, s30  }
0x11: {  	s13 =	sshll.u32 s31, $0x12;
	s16 =	sshrl.u32 s16, $0x3;
	s12 =	sadd.s32 s12, s17  }
0x12: {  	[tilespmem:s15+$0x0 ss:$0x81] =	vst.msk $0xffff, v0;
	s13 =	sor.u32 $0x400, s13;
	s12 =	sadd.s32 s16, s12  }
0x13: {  	[hbm4b:s12+s13] =	stream.strided.scatter [tilespmem:s14], [sflag:$0x2], $0x1000, s8, s13, $0x20;
	[tilespmem:$0x4040] =	vst v63  }
.LBB1_5:
0x14: {  	s14 =	sadd.s32 $0x1, s9  }
0x15: {  	s12 =	sadd.s32 $0x1000, s10;
	s16 =	smov.u32 s10;
	p2 =	sgt.s32 s14, $0xC7  }
0x16: {  	s16 =	smov.u32 @p2 s12  }
0x17: {  	s14 =	simm.s32 @p2 $0x0;
	p2 =	sgt.s32 s16, $0x3FFF  }
0x18: {  	s16 =	smov.u32 @p2 s2;
	p2 =	sne.s32 s11, s7  }
.Ltmp1:
0x19: {  	p1 =	slt.u32 s11, $0x2;
	(pc) =	sbr.rel @!p2 .LBB1_6-.Ltmp1, $4  }
0x1a: {  	s15 =	simm.s32 @!p1 $0x2  }
0x1b: {  	s13 =	smov.u32 s10;
	p0 =	por !p0, !p0;
	_ =	swait.ge @!p1 [sflag:s15], $0x1000  }
0x1c: {  	s12 =	smov.u32 s9;
	[sflag:s15] =	ssyncset.done @!p1 $0x0;
	s9 =	smov.u32 s14  }
0x1d: {  	s11 =	sadd.s32 $0x1, s11;
	[sflag:s15] =	ssyncadd.s32 @!p1 $0xFFFFF000;
	s10 =	smov.u32 s16  }
.LBB1_1:
0x1e: {  	p1 =	sge.u32 s11, s5  }
0x1f: {  	s14 =	sand.u32 @!p1 $0x1FFFFFF, s9  }
0x20: {  	s15 =	smulhi.u32 @!p1 $0x147AE15, s14;
	_ =	sdelay $0x1  }
0x21: {  	s15 =	smul.u32 @!p1 $0xC8, s15  }
0x22: {  	s16 =	sxor.u32 @!p1 $0xFFFFFFFF, s11;
	s17 =	smul.u32 @!p1 $0xC80, s10  }
0x23: {  	s31 =	sadd.s32 $0xFFFFFFFF, s11;
	s16 =	sshll.u32 @!p1 s16, $0xC;
	s14 =	ssub.s32 @!p1 s14, s15  }
0x24: {  	s15 =	sand.u32 @!p1 $0x1000, s16;
	s16 =	sadd.s32 @!p1 s6, s17;
	s14 =	sshll.u32 @!p1 s14, $0x4  }
0x25: {  	s17 =	simm.s32 @!p1 $0x6400;
	s14 =	sadd.s32 @!p1 s14, s16;
	s16 =	simm.s32 @!p1 $0x20  }
0x26: {  	[tilespmem:s15], [sflag:$0x1] =	stream.strided.gather @!p1 [hbm4b:s14+s16], $0x1000, s17, s16, $0x38;
	[tilespmem:$0x4040] =	vst v63  }
0x27: {  	p1 =	sge.u32 s31, s5  }
.Ltmp2:
0x28: {  	_ = 	snop;
	(pc) =	sbr.rel @p1 .LBB1_5-.Ltmp2, $1  }
0x29: {  	_ =	sdelay $0x3  }
0x2a: {  	s14 =	simm.s32 $0x1  }
0x2b: {  	_ =	swait.ge [sflag:s4], $0x1000;
	s14 =	simm.s32 @!p0 $0x0  }
0x2c: {  	[sflag:s4] =	ssyncset.done $0x0;
	s15 =	sshll.u32 s14, $0xC  }
0x2d: {  	[sflag:s4] =	ssyncadd.s32 $0xFFFFF000;
	s18 =	sor.u32 $0x10, s15  }
0x2e: {  	s14 =	smul.u32 $0x4080, s14;
	v1 =	vld [tilespmem:s18+$0x0]  }
0x2f: {  	s30 =	sand.u32 $0x1, s11;
	v0 =	vld [tilespmem:s18+$0xFFFFFFF0]  }
0x30: {  	s15 =	smul.u32 $0x4080, s30;
	s14 =	sshrl.u32 s14, $0x2  }
0x31: {  	s16 =	sor.u32 $0x2000, s14  }
0x32: {  	s31 =	sshrl.u32 s15, $0x2;
	s15 =	sadd.s32 $0x0, s16  }
0x33: {  	s17 =	simm.s32 $0x4;
	s18 =	sadd.s32 $0x20, s18;
	s14 =	sor.u32 $0x2000, s31;
	[tilespmem:s15+$0x810 ss:$0x81] =	vst.msk $0xffff, v1  }
.LBB1_3:
0x34: {  	v1 =	vld [tilespmem:s18+$0x0];
	p1 =	sne.s32 s17, $0x1FC;
	[tilespmem:s15+$0x0 ss:$0x81] =	vst.msk $0xffff, v0;
	s15 =	smov.u32 s17;
	s17 =	sadd.s32 $0x4, s17  }
.Ltmp3:
0x35: {  	v0 =	vld [tilespmem:s18+$0xFFFFFFF0];
	(pc) =	sbr.rel @p1 .LBB1_3-.Ltmp3, $4  }
0x36: {  	_ = 	snop  }
0x37: {  	s15 =	sshra.s32 s15, $0x2  }
0x38: {  	s15 =	sadd.s32 s15, s16  }
0x39: {  	s18 =	sadd.s32 $0x20, s18;
	[tilespmem:s15+$0x810 ss:$0x81] =	vst.msk $0xffff, v1  }
.Ltmp4:
0x3a: {  	_ = 	snop;
	(pc) =	sbr.rel .LBB1_4-.Ltmp4, $1  }
0x3b: {  	_ =	sdelay $0x3  }
.LBB1_6:
0x3c: {  	_ =	sfence.sel $0x180000  }
0x3d: {  	s2 =	simm.s32 $0x1;
	[bflag:$0x0] =	sbarrier.arrive $0xFFFF  }
0x3e: {  	s31 =	simm.s32 $0x2;
	[sflag:s2] =	ssyncpa.u1 $0x1  }
0x3f: {  	[sflag:s31] =	ssyncpa.u1 $0x1  }
0x40: {  	p0 =	sne.s32 s0, $0x0;
	_ =	strace $0x9000004A  }
0x41: {  	s0 =	sadd.s32 @!p0 $0x100000, s1;
	[bflag:$0x2] =	sbarrier.arrive $0xFFFF  }
0x42: {  	[sflag:s0] =	ssyncadd.tile.s32 @!p0 $0x1;
	_ =	shalt  }
.Lfunc_end1:
_tile_overlayer_lowered:
.L_overlay_start_2:
0x43: {  	(tag) =	ssettag $0x2  }
0x44: {  	s0 =	rddreg [dreg:$0x0];
	s2 =	stileid.u32  }
0x45: {  	s1 =	rddreg [dreg:$0x1];
	p0 =	sne.s32 s2, $0x0  }
0x46: {  	s3 =	rddreg [dreg:$0x2];
	[bflag:$0x3] =	sbarrier.arrive $0xFFFF;
	s2 =	simm.s32 @!p0 $0x1C01  }
0x47: {  	[timem:s3], [sflag:s2] =	dma.local @!p0 [hbm:s0], s1  }
0x48: {  	s0 =	simm.s32 @!p0 $0x1  }
0x49: {  	_ =	swait.ge @!p0 [sflag:s0], s1  }
0x4a: {  	s1 =	ssub.s32 @!p0 $0x0, s1;
	[sflag:s0] =	ssyncset.done @!p0 $0x0  }
0x4b: {  	[sflag:s0] =	ssyncadd.s32 @!p0 s1  }
0x4c: {  	[bflag:$0x3] =	sbarrier.arrive $0xFFFF  }
0x4d: {  	_ =	shalt  }

</sc_bundles>
